<compile_context>
chip_gen: v7x
topology: tpu7x:2x2x1
jax: 0.10.2.dev20260603
libtpu: 0.0.44.dev20260713+nightly
codegen_flags: <defaults>
</compile_context>

<pallas_src>
import functools

import jax
import jax.numpy as jnp
from jax import lax
from jax.experimental import pallas as pl
from jax.experimental.pallas import tpu as pltpu
from jax.experimental.pallas import tpu_sc as plsc

B = 4096
D = 1024
EPS = 1e-12


BM = 512
NJ = B // BM
NCK = 4
CK = B // NCK


def _fused_body(x_ref, idx_ref, xn_sc, sqc_sc):
    p = pl.program_id(0)
    j = pl.program_id(1)

    @pl.when(p == 0)
    def _norm():
        xc = x_ref[...]
        n2 = jnp.sum(xc * xc, axis=1, keepdims=True)
        xn = xc / jnp.maximum(jnp.sqrt(n2), EPS)
        xn_sc[pl.ds(j * BM, BM), :] = xn
        sq = jnp.sum(xn * xn, axis=1, keepdims=True)
        sqc_sc[:, pl.ds(j * BM, BM)] = sq.T

    @pl.when(p == 1)
    def _dist():
        a = xn_sc[pl.ds(j * BM, BM), :]
        sqr = jnp.sum(a * a, axis=1, keepdims=True)
        a2 = a * (-2.0)
        big = jnp.int32(2 * B)
        s_run = None
        loc_run = None
        for c in range(NCK):
            g2 = lax.dot_general(
                a2, xn_sc[pl.ds(c * CK, CK), :],
                dimension_numbers=(((1,), (1,)), ((), ())),
                preferred_element_type=jnp.float32,
            )
            d2_c = (sqr + sqc_sc[:, pl.ds(c * CK, CK)]) + g2
            m2_c = jnp.max(d2_c, axis=1, keepdims=True)
            mt = m2_c.T
            s_c = jnp.sqrt(jnp.maximum(mt, 0.0))
            t = mt
            for _ in range(6):
                cand = lax.bitcast_convert_type(
                    lax.bitcast_convert_type(t, jnp.int32) - 1,
                    jnp.float32)
                t = jnp.where(jnp.sqrt(cand) == s_c, cand, t)
            col = lax.broadcasted_iota(jnp.int32, (BM, CK), 1) + c * CK
            loc_c = jnp.min(
                jnp.where(d2_c >= t.T, col, big), axis=1, keepdims=True)
            sc_col = s_c.T
            if s_run is None:
                s_run, loc_run = sc_col, loc_c
            else:
                better = sc_col > s_run
                loc_run = jnp.where(better, loc_c, loc_run)
                s_run = jnp.maximum(s_run, sc_col)
        idx_ref[...] = loc_run


def _argmax_fused(x):
    return pl.pallas_call(
        _fused_body,
        grid=(2, NJ),
        in_specs=[pl.BlockSpec((BM, D), lambda p, j: (j, 0))],
        out_specs=pl.BlockSpec((BM, 1), lambda p, j: (j, 0)),
        out_shape=jax.ShapeDtypeStruct((B, 1), jnp.int32),
        scratch_shapes=[
            pltpu.VMEM((B, D), jnp.float32),
            pltpu.VMEM((1, B), jnp.float32),
        ],
        compiler_params=pltpu.CompilerParams(
            dimension_semantics=("arbitrary", "arbitrary"),
        ),
    )(x)



_NC = 2
_NS = 16
_NW = _NC * _NS
_BPW = B // _NW
_CH = 64


def _sc_gather_body(table_hbm, idx_hbm, out_hbm, idx_v, rows_v, sem):
    wid = lax.axis_index("s") * _NC + lax.axis_index("c")
    base = wid * _BPW
    pltpu.sync_copy(idx_hbm.at[pl.ds(base, _BPW)], idx_v)

    def chunk(c, _):
        off = c * _CH
        pltpu.async_copy(
            table_hbm.at[idx_v.at[pl.ds(off, _CH)]],
            rows_v, sem).wait()
        pltpu.sync_copy(rows_v, out_hbm.at[pl.ds(base + off, _CH)])
        return _

    lax.fori_loop(0, _BPW // _CH, chunk, 0)


def _sc_gather(x, idx):
    mesh = plsc.VectorSubcoreMesh(core_axis_name="c", subcore_axis_name="s")
    k = functools.partial(
        pl.kernel,
        mesh=mesh,
        out_type=jax.ShapeDtypeStruct((B, D), jnp.float32),
        scratch_types=[
            pltpu.VMEM((_BPW,), jnp.int32),
            pltpu.VMEM((_CH, D), jnp.float32),
            pltpu.SemaphoreType.DMA,
        ],
    )(_sc_gather_body)
    return k(x, idx)



BM_EP = 512


def _ep_body(xg_ref, x_ref, o_ref, s_sc):
    p = pl.program_id(0)
    kf = jnp.float32(B)
    inv = jnp.float32(1.0 / (B + 1.0))

    @pl.when((p == 0) & (pl.program_id(1) == 0))
    def _init():
        s_sc[...] = jnp.zeros((1, D), jnp.float32)

    @pl.when(p == 0)
    def _sum():
        s_sc[...] += jnp.sum(xg_ref[...], axis=0, keepdims=True)

    @pl.when(p == 1)
    def _out():
        o_ref[...] = x_ref[...] + (s_sc[...] - kf * xg_ref[...]) * inv


def _epilogue(xg, x):
    return pl.pallas_call(
        _ep_body,
        grid=(2, B // BM_EP),
        in_specs=[
            pl.BlockSpec((BM_EP, D), lambda p, i: (i, 0)),
            pl.BlockSpec((BM_EP, D), lambda p, i: (p * i, 0)),
        ],
        out_specs=pl.BlockSpec((BM_EP, D), lambda p, i: (p * i, 0)),
        out_shape=jax.ShapeDtypeStruct((B, D), jnp.float32),
        scratch_shapes=[pltpu.VMEM((1, D), jnp.float32)],
        compiler_params=pltpu.CompilerParams(
            dimension_semantics=("arbitrary", "arbitrary"),
        ),
    )(xg, x)


def kernel(x):
    idx2 = _argmax_fused(x)
    idx = idx2.reshape(B)
    xg = _sc_gather(x, idx)
    return _epilogue(xg, x)

# --- scband reference (transcript-rebuilt; emitter-appended) ---
"""Pipeline reference for scband-linear-transform-noise-layer-v2-21165598835572 (READ-ONLY COPY).

The authoritative reference and input builder live on the scoring server;
editing this copy changes nothing except your own understanding.
"""

import jax, jax.numpy as jnp
import numpy as np

BATCH = 4096
D = 1024

def _quality_matrix(k):
    # alpha=None branch of _compute_quality_matrix
    return jnp.eye(k, dtype=jnp.float32) * (-float(k) / (k + 1)) + jnp.ones((k, k), dtype=jnp.float32) / (k + 1)

def _l2_normalize(x, eps=1e-12):
    # matches torch F.normalize(x, p=2, dim=1)
    n = jnp.sqrt(jnp.sum(x * x, axis=1, keepdims=True))
    return x / jnp.maximum(n, eps)

def setup_inputs(seed: int = 0) -> dict:
    key = jax.random.key(seed)
    x = jax.random.normal(key, (BATCH, D), dtype=jnp.float32)
    return {"x": x}

def reference(x):
    input_shape = x.shape
    k = x.shape[0]
    Q = _quality_matrix(k)
    X = x.reshape(x.shape[0], -1)
    # generate_random_sample, simple=True, metric='L2'
    Xn = _l2_normalize(X)
    sq = jnp.sum(Xn * Xn, axis=1)
    d2 = sq[:, None] + sq[None, :] - 2.0 * (Xn @ Xn.T)
    dists = jnp.sqrt(jnp.clip(d2, 0.0, None))  # cdist p=2
    largest_indices = jnp.argmax(dists, axis=1)
    rand_x = jnp.take(X, largest_indices, axis=0)
    out = X + Q @ rand_x
    return out.reshape(input_shape)

if __name__ == "__main__":
    import jax
    _d = setup_inputs()
    print(jax.jit(kernel)(*tuple(_d.values())))

</pallas_src>

<mosaic_0001>
#map = affine_map<(d0, d1) -> (0, 0)>
#map1 = affine_map<(d0, d1) -> (0)>
module attributes {stable_mosaic.version = 14 : i64} {
  func.func @_sc_gather_body(%arg0: i32, %arg1: i32, %arg2: memref<4096x1024xf32, #tpu.memory_space<hbm>>, %arg3: memref<4096xi32, #tpu.memory_space<hbm>>, %arg4: memref<4096x1024xf32, #tpu.memory_space<hbm>>, %arg5: memref<128xi32, #tpu.memory_space<vmem>>, %arg6: memref<64x1024xf32, #tpu.memory_space<vmem>>, %arg7: memref<!tpu.dma_semaphore, #tpu.memory_space<semaphore_mem>>) attributes {dimension_semantics = [#tpu.dimension_semantics<core_parallel>, #tpu.dimension_semantics<subcore_parallel>], iteration_bounds = array<i64: 2, 16>, scalar_prefetch = 0 : i64, scratch_operands = 3 : i64, tpu.core_type = #tpu.core_type<sc_vector_subcore>, window_params = [{transform_indices = #map}, {transform_indices = #map1}, {transform_indices = #map}]} {
    %mul3A = arith.constant 2 : i32
    %mul3A_0 = arith.muli %arg1, %mul3A : i32
    %add3A = arith.addi %mul3A_0, %arg0 : i32
    %mul3A_1 = arith.constant 128 : i32
    %mul3A_2 = arith.muli %add3A, %mul3A_1 : i32
    "tpu.region"() ({
      %run_scoped3A = tpu.sem_alloc : memref<!tpu.dma_semaphore, #tpu.memory_space<semaphore_mem>>
      %dma_start3A = tpu.memref_slice %arg3[%mul3A_2] : memref<4096xi32, #tpu.memory_space<hbm>> -> memref<128xi32, #tpu.memory_space<hbm>>
      %dma_start3A_8 = tpu.memref_slice %arg3[%mul3A_2] : memref<4096xi32, #tpu.memory_space<hbm>> -> memref<128xi32, #tpu.memory_space<hbm>>
      tpu.enqueue_dma source(%dma_start3A_8 : memref<128xi32, #tpu.memory_space<hbm>>) target(%arg5 : memref<128xi32, #tpu.memory_space<vmem>>) target_semaphore(%run_scoped3A : memref<!tpu.dma_semaphore, #tpu.memory_space<semaphore_mem>>)
      %dma_wait3A = tpu.memref_slice %arg3[%mul3A_2] : memref<4096xi32, #tpu.memory_space<hbm>> -> memref<128xi32, #tpu.memory_space<hbm>>
      %dma_wait3A_9 = tpu.memref_slice %arg3[%mul3A_2] : memref<4096xi32, #tpu.memory_space<hbm>> -> memref<128xi32, #tpu.memory_space<hbm>>
      tpu.wait_dma2 semaphore(%run_scoped3A : memref<!tpu.dma_semaphore, #tpu.memory_space<semaphore_mem>>) src(%dma_wait3A_9 : memref<128xi32, #tpu.memory_space<hbm>>) dst(%arg5 : memref<128xi32, #tpu.memory_space<vmem>>)
      tpu.yield
    }) : () -> ()
    %scan3A = arith.constant 0 : i32
    %scan3A_3 = arith.constant 0 : i32
    %scan3A_4 = arith.constant 2 : i32
    %scan3A_5 = arith.addi %scan3A_3, %scan3A_4 : i32
    %scan3A_6 = arith.constant 1 : i32
    scf.for %scan3A_8 = %scan3A_3 to %scan3A_5 step %scan3A_6  : i32 {
      %mul3A_9 = arith.constant 64 : i32
      %mul3A_10 = arith.muli %scan3A_8, %mul3A_9 : i32
      %dma_start3A = tpu.memref_slice %arg5[%mul3A_10] : memref<128xi32, #tpu.memory_space<vmem>> -> memref<64xi32, #tpu.memory_space<vmem>>
      %dma_start3A_11 = arith.constant 0 : i32
      %dma_start3A_12 = arith.constant 0 : i32
      %dma_start3A_13 = tpu.memref_slice %arg2[%dma_start3A_11, %dma_start3A_12] : memref<4096x1024xf32, #tpu.memory_space<hbm>> -> memref<4096x1024xf32, #tpu.memory_space<hbm>>
      tpu.enqueue_indirect_dma source(%dma_start3A_13 : memref<4096x1024xf32, #tpu.memory_space<hbm>>) target(%arg6 : memref<64x1024xf32, #tpu.memory_space<vmem>>) offsets(%dma_start3A : memref<64xi32, #tpu.memory_space<vmem>>) semaphore(%arg7 : memref<!tpu.dma_semaphore, #tpu.memory_space<semaphore_mem>>)
      %dma_wait3A = tpu.memref_slice %arg5[%mul3A_10] : memref<128xi32, #tpu.memory_space<vmem>> -> memref<64xi32, #tpu.memory_space<vmem>>
      %dma_wait3A_14 = arith.constant 0 : i32
      %dma_wait3A_15 = arith.constant 0 : i32
      %dma_wait3A_16 = tpu.memref_slice %arg2[%dma_wait3A_14, %dma_wait3A_15] : memref<4096x1024xf32, #tpu.memory_space<hbm>> -> memref<4096x1024xf32, #tpu.memory_space<hbm>>
      tpu.wait_indirect_dma semaphore(%arg7 : memref<!tpu.dma_semaphore, #tpu.memory_space<semaphore_mem>>) src(%dma_wait3A_16 : memref<4096x1024xf32, #tpu.memory_space<hbm>>) dst(%arg6 : memref<64x1024xf32, #tpu.memory_space<vmem>>)
      %add3A_17 = arith.addi %mul3A_2, %mul3A_10 : i32
      "tpu.region"() ({
        %run_scoped3A = tpu.sem_alloc : memref<!tpu.dma_semaphore, #tpu.memory_space<semaphore_mem>>
        %dma_start3A_18 = arith.constant 0 : i32
        %dma_start3A_19 = tpu.memref_slice %arg4[%add3A_17, %dma_start3A_18] : memref<4096x1024xf32, #tpu.memory_space<hbm>> -> memref<64x1024xf32, #tpu.memory_space<hbm>>
        %dma_start3A_20 = arith.constant 0 : i32
        %dma_start3A_21 = tpu.memref_slice %arg4[%add3A_17, %dma_start3A_20] : memref<4096x1024xf32, #tpu.memory_space<hbm>> -> memref<64x1024xf32, #tpu.memory_space<hbm>>
        tpu.enqueue_dma source(%arg6 : memref<64x1024xf32, #tpu.memory_space<vmem>>) target(%dma_start3A_21 : memref<64x1024xf32, #tpu.memory_space<hbm>>) target_semaphore(%run_scoped3A : memref<!tpu.dma_semaphore, #tpu.memory_space<semaphore_mem>>)
        %dma_wait3A_22 = arith.constant 0 : i32
        %dma_wait3A_23 = tpu.memref_slice %arg4[%add3A_17, %dma_wait3A_22] : memref<4096x1024xf32, #tpu.memory_space<hbm>> -> memref<64x1024xf32, #tpu.memory_space<hbm>>
        %dma_wait3A_24 = arith.constant 0 : i32
        %dma_wait3A_25 = tpu.memref_slice %arg4[%add3A_17, %dma_wait3A_24] : memref<4096x1024xf32, #tpu.memory_space<hbm>> -> memref<64x1024xf32, #tpu.memory_space<hbm>>
        tpu.wait_dma2 semaphore(%run_scoped3A : memref<!tpu.dma_semaphore, #tpu.memory_space<semaphore_mem>>) src(%arg6 : memref<64x1024xf32, #tpu.memory_space<vmem>>) dst(%dma_wait3A_25 : memref<64x1024xf32, #tpu.memory_space<hbm>>)
        tpu.yield
      }) : () -> ()
    }
    %scan3A_7 = arith.constant 2 : i32
    return
  }
}

module attributes {stable_mosaic.version = 14 : i64} {
  func.func @_fused_body(%arg0: i32, %arg1: i32, %arg2: memref<512x1024xf32, #tpu.memory_space<vmem>>, %arg3: memref<512x1xi32, #tpu.memory_space<vmem>>, %arg4: memref<4096x1024xf32, #tpu.memory_space<vmem>>, %arg5: memref<1x4096xf32, #tpu.memory_space<vmem>>) attributes {dimension_semantics = [#tpu.dimension_semantics<arbitrary>, #tpu.dimension_semantics<arbitrary>], iteration_bounds = array<i64: 2, 8>, scalar_prefetch = 0 : i64, scratch_operands = 2 : i64, tpu.core_type = #tpu.core_type<tc>, window_params = [{transform_indices = @transform_0, window_bounds = array<i64: 512, 1024>}, {transform_indices = @transform_1, window_bounds = array<i64: 512, 1>}]} {
    %eq3A = arith.constant 0 : i32
    %eq3A_0 = arith.cmpi eq, %arg0, %eq3A : i32
    %convert_element_type3A = arith.extui %eq3A_0 : i1 to i32
    %cond3A = arith.constant 0 : i32
    %cond3A_1 = arith.cmpi ne, %convert_element_type3A, %cond3A : i32
    scf.if %cond3A_1 {
      %get3A = arith.constant 0 : index
      %get3A_7 = arith.constant 0 : index
      %get3A_8 = vector.load %arg2[%get3A, %get3A_7] : memref<512x1024xf32, #tpu.memory_space<vmem>>, vector<512x1024xf32>
      %mul3A = arith.mulf %get3A_8, %get3A_8 : vector<512x1024xf32>
      %reduce_sum3A = arith.constant dense<0.000000e+00> : vector<512xf32>
      %reduce_sum3A_9 = vector.multi_reduction <add>, %mul3A, %reduce_sum3A [1] : vector<512x1024xf32> to vector<512xf32>
      %broadcast_in_dim3A = vector.shape_cast %reduce_sum3A_9 : vector<512xf32> to vector<512x1xf32>
      %sqrt3A = math.sqrt %broadcast_in_dim3A : vector<512x1xf32>
      %max3A = arith.constant 9.99999996E-13 : f32
      %max3A_10 = vector.broadcast %max3A : f32 to vector<512x1xf32>
      %max3A_11 = arith.maximumf %sqrt3A, %max3A_10 : vector<512x1xf32>
      %div3A = vector.broadcast %max3A_11 : vector<512x1xf32> to vector<512x1024xf32>
      %div3A_12 = arith.divf %get3A_8, %div3A : vector<512x1024xf32>
      %mul3A_13 = arith.constant 512 : i32
      %mul3A_14 = arith.muli %arg1, %mul3A_13 : i32
      %swap3A = arith.index_cast %mul3A_14 : i32 to index
      %swap3A_15 = arith.constant 0 : index
      %swap3A_16 = vector.load %arg4[%swap3A, %swap3A_15] : memref<4096x1024xf32, #tpu.memory_space<vmem>>, vector<512x1024xf32>
      tpu.vector_store %arg4[%swap3A, %swap3A_15], %div3A_12 {strides = array<i32>} : memref<4096x1024xf32, #tpu.memory_space<vmem>>, vector<512x1024xf32>,
      %mul3A_17 = arith.mulf %div3A_12, %div3A_12 : vector<512x1024xf32>
      %reduce_sum3A_18 = arith.constant dense<0.000000e+00> : vector<512xf32>
      %reduce_sum3A_19 = vector.multi_reduction <add>, %mul3A_17, %reduce_sum3A_18 [1] : vector<512x1024xf32> to vector<512xf32>
      %broadcast_in_dim3A_20 = vector.shape_cast %reduce_sum3A_19 : vector<512xf32> to vector<512x1xf32>
      %transpose3A = tpu.transpose %broadcast_in_dim3A_20, [1, 0] : vector<512x1xf32> -> vector<1x512xf32>
      %mul3A_21 = arith.constant 512 : i32
      %mul3A_22 = arith.muli %arg1, %mul3A_21 : i32
      %swap3A_23 = arith.constant 0 : index
      %swap3A_24 = arith.index_cast %mul3A_22 : i32 to index
      %swap3A_25 = vector.load %arg5[%swap3A_23, %swap3A_24] : memref<1x4096xf32, #tpu.memory_space<vmem>>, vector<1x512xf32>
      tpu.vector_store %arg5[%swap3A_23, %swap3A_24], %transpose3A {strides = array<i32>} : memref<1x4096xf32, #tpu.memory_space<vmem>>, vector<1x512xf32>,
    } else {
    }
    %eq3A_2 = arith.constant 1 : i32
    %eq3A_3 = arith.cmpi eq, %arg0, %eq3A_2 : i32
    %convert_element_type3A_4 = arith.extui %eq3A_3 : i1 to i32
    %cond3A_5 = arith.constant 0 : i32
    %cond3A_6 = arith.cmpi ne, %convert_element_type3A_4, %cond3A_5 : i32
    scf.if %cond3A_6 {
      %mul3A = arith.constant 512 : i32
      %mul3A_7 = arith.muli %arg1, %mul3A : i32
      %get3A = arith.index_cast %mul3A_7 : i32 to index
      %get3A_8 = arith.constant 0 : index
      %get3A_9 = vector.load %arg4[%get3A, %get3A_8] : memref<4096x1024xf32, #tpu.memory_space<vmem>>, vector<512x1024xf32>
      %mul3A_10 = arith.mulf %get3A_9, %get3A_9 : vector<512x1024xf32>
      %reduce_sum3A = arith.constant dense<0.000000e+00> : vector<512xf32>
      %reduce_sum3A_11 = vector.multi_reduction <add>, %mul3A_10, %reduce_sum3A [1] : vector<512x1024xf32> to vector<512xf32>
      %broadcast_in_dim3A = vector.shape_cast %reduce_sum3A_11 : vector<512xf32> to vector<512x1xf32>
      %mul3A_12 = arith.constant -2.000000e+00 : f32
      %mul3A_13 = vector.broadcast %mul3A_12 : f32 to vector<512x1024xf32>
      %mul3A_14 = arith.mulf %get3A_9, %mul3A_13 : vector<512x1024xf32>
      %get3A_15 = arith.constant 0 : index
      %get3A_16 = arith.constant 0 : index
      %get3A_17 = vector.load %arg4[%get3A_15, %get3A_16] : memref<4096x1024xf32, #tpu.memory_space<vmem>>, vector<1024x1024xf32>
      %dot_general3A = arith.constant dense<0.000000e+00> : vector<512x1024xf32>
      %dot_general3A_18 = tpu.matmul %mul3A_14, %get3A_17, %dot_general3A {dimension_numbers = #tpu.dot_dimension_numbers<[1], [1], [0], [0], [0, 0, 1, 0], [], []>, transpose_lhs_hint = false} : vector<512x1024xf32>, vector<1024x1024xf32>, vector<512x1024xf32> -> vector<512x1024xf32>
      %get3A_19 = arith.constant 0 : index
      %get3A_20 = arith.constant 0 : index
      %get3A_21 = vector.load %arg5[%get3A_19, %get3A_20] : memref<1x4096xf32, #tpu.memory_space<vmem>>, vector<1x1024xf32>
      %add3A = vector.broadcast %broadcast_in_dim3A : vector<512x1xf32> to vector<512x1024xf32>
      %add3A_22 = vector.broadcast %get3A_21 : vector<1x1024xf32> to vector<512x1024xf32>
      %add3A_23 = arith.addf %add3A, %add3A_22 : vector<512x1024xf32>
      %add3A_24 = arith.addf %add3A_23, %dot_general3A_18 : vector<512x1024xf32>
      %reduce_max3A = arith.constant dense<0xFF800000> : vector<512xf32>
      %reduce_max3A_25 = vector.multi_reduction <maximumf>, %add3A_24, %reduce_max3A [1] : vector<512x1024xf32> to vector<512xf32>
      %broadcast_in_dim3A_26 = vector.shape_cast %reduce_max3A_25 : vector<512xf32> to vector<512x1xf32>
      %transpose3A = tpu.transpose %broadcast_in_dim3A_26, [1, 0] : vector<512x1xf32> -> vector<1x512xf32>
      %max3A = arith.constant 0.000000e+00 : f32
      %max3A_27 = vector.broadcast %max3A : f32 to vector<1x512xf32>
      %max3A_28 = arith.maximumf %transpose3A, %max3A_27 : vector<1x512xf32>
      %sqrt3A = math.sqrt %max3A_28 : vector<1x512xf32>
      %bitcast_convert_type3A = tpu.bitcast %transpose3A : vector<1x512xf32> -> vector<1x512xi32>
      %sub3A = arith.constant 1 : i32
      %sub3A_29 = vector.broadcast %sub3A : i32 to vector<1x512xi32>
      %sub3A_30 = arith.subi %bitcast_convert_type3A, %sub3A_29 : vector<1x512xi32>
      %bitcast_convert_type3A_31 = tpu.bitcast %sub3A_30 : vector<1x512xi32> -> vector<1x512xf32>
      %sqrt3A_32 = math.sqrt %bitcast_convert_type3A_31 : vector<1x512xf32>
      %eq3A_33 = arith.cmpf oeq, %sqrt3A_32, %sqrt3A : vector<1x512xf32>
      %select_n3A = arith.select %eq3A_33, %bitcast_convert_type3A_31, %transpose3A : vector<1x512xi1>, vector<1x512xf32>
      %bitcast_convert_type3A_34 = tpu.bitcast %select_n3A : vector<1x512xf32> -> vector<1x512xi32>
      %sub3A_35 = arith.constant 1 : i32
      %sub3A_36 = vector.broadcast %sub3A_35 : i32 to vector<1x512xi32>
      %sub3A_37 = arith.subi %bitcast_convert_type3A_34, %sub3A_36 : vector<1x512xi32>
      %bitcast_convert_type3A_38 = tpu.bitcast %sub3A_37 : vector<1x512xi32> -> vector<1x512xf32>
      %sqrt3A_39 = math.sqrt %bitcast_convert_type3A_38 : vector<1x512xf32>
      %eq3A_40 = arith.cmpf oeq, %sqrt3A_39, %sqrt3A : vector<1x512xf32>
      %select_n3A_41 = arith.select %eq3A_40, %bitcast_convert_type3A_38, %select_n3A : vector<1x512xi1>, vector<1x512xf32>
      %bitcast_convert_type3A_42 = tpu.bitcast %select_n3A_41 : vector<1x512xf32> -> vector<1x512xi32>
      %sub3A_43 = arith.constant 1 : i32
      %sub3A_44 = vector.broadcast %sub3A_43 : i32 to vector<1x512xi32>
      %sub3A_45 = arith.subi %bitcast_convert_type3A_42, %sub3A_44 : vector<1x512xi32>
      %bitcast_convert_type3A_46 = tpu.bitcast %sub3A_45 : vector<1x512xi32> -> vector<1x512xf32>
      %sqrt3A_47 = math.sqrt %bitcast_convert_type3A_46 : vector<1x512xf32>
      %eq3A_48 = arith.cmpf oeq, %sqrt3A_47, %sqrt3A : vector<1x512xf32>
      %select_n3A_49 = arith.select %eq3A_48, %bitcast_convert_type3A_46, %select_n3A_41 : vector<1x512xi1>, vector<1x512xf32>
      %bitcast_convert_type3A_50 = tpu.bitcast %select_n3A_49 : vector<1x512xf32> -> vector<1x512xi32>
      %sub3A_51 = arith.constant 1 : i32
      %sub3A_52 = vector.broadcast %sub3A_51 : i32 to vector<1x512xi32>
      %sub3A_53 = arith.subi %bitcast_convert_type3A_50, %sub3A_52 : vector<1x512xi32>
      %bitcast_convert_type3A_54 = tpu.bitcast %sub3A_53 : vector<1x512xi32> -> vector<1x512xf32>
      %sqrt3A_55 = math.sqrt %bitcast_convert_type3A_54 : vector<1x512xf32>
      %eq3A_56 = arith.cmpf oeq, %sqrt3A_55, %sqrt3A : vector<1x512xf32>
      %select_n3A_57 = arith.select %eq3A_56, %bitcast_convert_type3A_54, %select_n3A_49 : vector<1x512xi1>, vector<1x512xf32>
      %bitcast_convert_type3A_58 = tpu.bitcast %select_n3A_57 : vector<1x512xf32> -> vector<1x512xi32>
      %sub3A_59 = arith.constant 1 : i32
      %sub3A_60 = vector.broadcast %sub3A_59 : i32 to vector<1x512xi32>
      %sub3A_61 = arith.subi %bitcast_convert_type3A_58, %sub3A_60 : vector<1x512xi32>
      %bitcast_convert_type3A_62 = tpu.bitcast %sub3A_61 : vector<1x512xi32> -> vector<1x512xf32>
      %sqrt3A_63 = math.sqrt %bitcast_convert_type3A_62 : vector<1x512xf32>
      %eq3A_64 = arith.cmpf oeq, %sqrt3A_63, %sqrt3A : vector<1x512xf32>
      %select_n3A_65 = arith.select %eq3A_64, %bitcast_convert_type3A_62, %select_n3A_57 : vector<1x512xi1>, vector<1x512xf32>
      %bitcast_convert_type3A_66 = tpu.bitcast %select_n3A_65 : vector<1x512xf32> -> vector<1x512xi32>
      %sub3A_67 = arith.constant 1 : i32
      %sub3A_68 = vector.broadcast %sub3A_67 : i32 to vector<1x512xi32>
      %sub3A_69 = arith.subi %bitcast_convert_type3A_66, %sub3A_68 : vector<1x512xi32>
      %bitcast_convert_type3A_70 = tpu.bitcast %sub3A_69 : vector<1x512xi32> -> vector<1x512xf32>
      %sqrt3A_71 = math.sqrt %bitcast_convert_type3A_70 : vector<1x512xf32>
      %eq3A_72 = arith.cmpf oeq, %sqrt3A_71, %sqrt3A : vector<1x512xf32>
      %select_n3A_73 = arith.select %eq3A_72, %bitcast_convert_type3A_70, %select_n3A_65 : vector<1x512xi1>, vector<1x512xf32>
      %iota3A = tpu.iota {dimensions = array<i32: 1>} : vector<512x1024xi32>
      %add3A_74 = arith.constant 0 : i32
      %add3A_75 = vector.broadcast %add3A_74 : i32 to vector<512x1024xi32>
      %add3A_76 = arith.addi %iota3A, %add3A_75 : vector<512x1024xi32>
      %transpose3A_77 = tpu.transpose %select_n3A_73, [1, 0] : vector<1x512xf32> -> vector<512x1xf32>
      %ge3A = vector.broadcast %transpose3A_77 : vector<512x1xf32> to vector<512x1024xf32>
      %ge3A_78 = arith.cmpf oge, %add3A_24, %ge3A : vector<512x1024xf32>
      %jit3A = arith.constant 8192 : i32
      %broadcast_in_dim3A_79 = vector.broadcast %jit3A : i32 to vector<512x1024xi32>
      %select_n3A_80 = arith.select %ge3A_78, %add3A_76, %broadcast_in_dim3A_79 : vector<512x1024xi1>, vector<512x1024xi32>
      %reduce_min3A = arith.constant dense<2147483647> : vector<512xi32>
      %reduce_min3A_81 = vector.multi_reduction <minsi>, %select_n3A_80, %reduce_min3A [1] : vector<512x1024xi32> to vector<512xi32>
      %broadcast_in_dim3A_82 = vector.shape_cast %reduce_min3A_81 : vector<512xi32> to vector<512x1xi32>
      %transpose3A_83 = tpu.transpose %sqrt3A, [1, 0] : vector<1x512xf32> -> vector<512x1xf32>
      %get3A_84 = arith.constant 1024 : index
      %get3A_85 = arith.constant 0 : index
      %get3A_86 = vector.load %arg4[%get3A_84, %get3A_85] : memref<4096x1024xf32, #tpu.memory_space<vmem>>, vector<1024x1024xf32>
      %dot_general3A_87 = arith.constant dense<0.000000e+00> : vector<512x1024xf32>
      %dot_general3A_88 = tpu.matmul %mul3A_14, %get3A_86, %dot_general3A_87 {dimension_numbers = #tpu.dot_dimension_numbers<[1], [1], [0], [0], [0, 0, 1, 0], [], []>, transpose_lhs_hint = false} : vector<512x1024xf32>, vector<1024x1024xf32>, vector<512x1024xf32> -> vector<512x1024xf32>
      %get3A_89 = arith.constant 0 : index
      %get3A_90 = arith.constant 1024 : index
      %get3A_91 = vector.load %arg5[%get3A_89, %get3A_90] : memref<1x4096xf32, #tpu.memory_space<vmem>>, vector<1x1024xf32>
      %add3A_92 = vector.broadcast %broadcast_in_dim3A : vector<512x1xf32> to vector<512x1024xf32>
      %add3A_93 = vector.broadcast %get3A_91 : vector<1x1024xf32> to vector<512x1024xf32>
      %add3A_94 = arith.addf %add3A_92, %add3A_93 : vector<512x1024xf32>
      %add3A_95 = arith.addf %add3A_94, %dot_general3A_88 : vector<512x1024xf32>
      %reduce_max3A_96 = arith.constant dense<0xFF800000> : vector<512xf32>
      %reduce_max3A_97 = vector.multi_reduction <maximumf>, %add3A_95, %reduce_max3A_96 [1] : vector<512x1024xf32> to vector<512xf32>
      %broadcast_in_dim3A_98 = vector.shape_cast %reduce_max3A_97 : vector<512xf32> to vector<512x1xf32>
      %transpose3A_99 = tpu.transpose %broadcast_in_dim3A_98, [1, 0] : vector<512x1xf32> -> vector<1x512xf32>
      %max3A_100 = arith.constant 0.000000e+00 : f32
      %max3A_101 = vector.broadcast %max3A_100 : f32 to vector<1x512xf32>
      %max3A_102 = arith.maximumf %transpose3A_99, %max3A_101 : vector<1x512xf32>
      %sqrt3A_103 = math.sqrt %max3A_102 : vector<1x512xf32>
      %bitcast_convert_type3A_104 = tpu.bitcast %transpose3A_99 : vector<1x512xf32> -> vector<1x512xi32>
      %sub3A_105 = arith.constant 1 : i32
      %sub3A_106 = vector.broadcast %sub3A_105 : i32 to vector<1x512xi32>
      %sub3A_107 = arith.subi %bitcast_convert_type3A_104, %sub3A_106 : vector<1x512xi32>
      %bitcast_convert_type3A_108 = tpu.bitcast %sub3A_107 : vector<1x512xi32> -> vector<1x512xf32>
      %sqrt3A_109 = math.sqrt %bitcast_convert_type3A_108 : vector<1x512xf32>
      %eq3A_110 = arith.cmpf oeq, %sqrt3A_109, %sqrt3A_103 : vector<1x512xf32>
      %select_n3A_111 = arith.select %eq3A_110, %bitcast_convert_type3A_108, %transpose3A_99 : vector<1x512xi1>, vector<1x512xf32>
      %bitcast_convert_type3A_112 = tpu.bitcast %select_n3A_111 : vector<1x512xf32> -> vector<1x512xi32>
      %sub3A_113 = arith.constant 1 : i32
      %sub3A_114 = vector.broadcast %sub3A_113 : i32 to vector<1x512xi32>
      %sub3A_115 = arith.subi %bitcast_convert_type3A_112, %sub3A_114 : vector<1x512xi32>
      %bitcast_convert_type3A_116 = tpu.bitcast %sub3A_115 : vector<1x512xi32> -> vector<1x512xf32>
      %sqrt3A_117 = math.sqrt %bitcast_convert_type3A_116 : vector<1x512xf32>
      %eq3A_118 = arith.cmpf oeq, %sqrt3A_117, %sqrt3A_103 : vector<1x512xf32>
      %select_n3A_119 = arith.select %eq3A_118, %bitcast_convert_type3A_116, %select_n3A_111 : vector<1x512xi1>, vector<1x512xf32>
      %bitcast_convert_type3A_120 = tpu.bitcast %select_n3A_119 : vector<1x512xf32> -> vector<1x512xi32>
      %sub3A_121 = arith.constant 1 : i32
      %sub3A_122 = vector.broadcast %sub3A_121 : i32 to vector<1x512xi32>
      %sub3A_123 = arith.subi %bitcast_convert_type3A_120, %sub3A_122 : vector<1x512xi32>
      %bitcast_convert_type3A_124 = tpu.bitcast %sub3A_123 : vector<1x512xi32> -> vector<1x512xf32>
      %sqrt3A_125 = math.sqrt %bitcast_convert_type3A_124 : vector<1x512xf32>
      %eq3A_126 = arith.cmpf oeq, %sqrt3A_125, %sqrt3A_103 : vector<1x512xf32>
      %select_n3A_127 = arith.select %eq3A_126, %bitcast_convert_type3A_124, %select_n3A_119 : vector<1x512xi1>, vector<1x512xf32>
      %bitcast_convert_type3A_128 = tpu.bitcast %select_n3A_127 : vector<1x512xf32> -> vector<1x512xi32>
      %sub3A_129 = arith.constant 1 : i32
      %sub3A_130 = vector.broadcast %sub3A_129 : i32 to vector<1x512xi32>
      %sub3A_131 = arith.subi %bitcast_convert_type3A_128, %sub3A_130 : vector<1x512xi32>
      %bitcast_convert_type3A_132 = tpu.bitcast %sub3A_131 : vector<1x512xi32> -> vector<1x512xf32>
      %sqrt3A_133 = math.sqrt %bitcast_convert_type3A_132 : vector<1x512xf32>
      %eq3A_134 = arith.cmpf oeq, %sqrt3A_133, %sqrt3A_103 : vector<1x512xf32>
      %select_n3A_135 = arith.select %eq3A_134, %bitcast_convert_type3A_132, %select_n3A_127 : vector<1x512xi1>, vector<1x512xf32>
      %bitcast_convert_type3A_136 = tpu.bitcast %select_n3A_135 : vector<1x512xf32> -> vector<1x512xi32>
      %sub3A_137 = arith.constant 1 : i32
      %sub3A_138 = vector.broadcast %sub3A_137 : i32 to vector<1x512xi32>
      %sub3A_139 = arith.subi %bitcast_convert_type3A_136, %sub3A_138 : vector<1x512xi32>
      %bitcast_convert_type3A_140 = tpu.bitcast %sub3A_139 : vector<1x512xi32> -> vector<1x512xf32>
      %sqrt3A_141 = math.sqrt %bitcast_convert_type3A_140 : vector<1x512xf32>
      %eq3A_142 = arith.cmpf oeq, %sqrt3A_141, %sqrt3A_103 : vector<1x512xf32>
      %select_n3A_143 = arith.select %eq3A_142, %bitcast_convert_type3A_140, %select_n3A_135 : vector<1x512xi1>, vector<1x512xf32>
      %bitcast_convert_type3A_144 = tpu.bitcast %select_n3A_143 : vector<1x512xf32> -> vector<1x512xi32>
      %sub3A_145 = arith.constant 1 : i32
      %sub3A_146 = vector.broadcast %sub3A_145 : i32 to vector<1x512xi32>
      %sub3A_147 = arith.subi %bitcast_convert_type3A_144, %sub3A_146 : vector<1x512xi32>
      %bitcast_convert_type3A_148 = tpu.bitcast %sub3A_147 : vector<1x512xi32> -> vector<1x512xf32>
      %sqrt3A_149 = math.sqrt %bitcast_convert_type3A_148 : vector<1x512xf32>
      %eq3A_150 = arith.cmpf oeq, %sqrt3A_149, %sqrt3A_103 : vector<1x512xf32>
      %select_n3A_151 = arith.select %eq3A_150, %bitcast_convert_type3A_148, %select_n3A_143 : vector<1x512xi1>, vector<1x512xf32>
      %iota3A_152 = tpu.iota {dimensions = array<i32: 1>} : vector<512x1024xi32>
      %add3A_153 = arith.constant 1024 : i32
      %add3A_154 = vector.broadcast %add3A_153 : i32 to vector<512x1024xi32>
      %add3A_155 = arith.addi %iota3A_152, %add3A_154 : vector<512x1024xi32>
      %transpose3A_156 = tpu.transpose %select_n3A_151, [1, 0] : vector<1x512xf32> -> vector<512x1xf32>
      %ge3A_157 = vector.broadcast %transpose3A_156 : vector<512x1xf32> to vector<512x1024xf32>
      %ge3A_158 = arith.cmpf oge, %add3A_95, %ge3A_157 : vector<512x1024xf32>
      %jit3A_159 = arith.constant 8192 : i32
      %broadcast_in_dim3A_160 = vector.broadcast %jit3A_159 : i32 to vector<512x1024xi32>
      %select_n3A_161 = arith.select %ge3A_158, %add3A_155, %broadcast_in_dim3A_160 : vector<512x1024xi1>, vector<512x1024xi32>
      %reduce_min3A_162 = arith.constant dense<2147483647> : vector<512xi32>
      %reduce_min3A_163 = vector.multi_reduction <minsi>, %select_n3A_161, %reduce_min3A_162 [1] : vector<512x1024xi32> to vector<512xi32>
      %broadcast_in_dim3A_164 = vector.shape_cast %reduce_min3A_163 : vector<512xi32> to vector<512x1xi32>
      %transpose3A_165 = tpu.transpose %sqrt3A_103, [1, 0] : vector<1x512xf32> -> vector<512x1xf32>
      %gt3A = arith.cmpf ogt, %transpose3A_165, %transpose3A_83 : vector<512x1xf32>
      %select_n3A_166 = arith.select %gt3A, %broadcast_in_dim3A_164, %broadcast_in_dim3A_82 : vector<512x1xi1>, vector<512x1xi32>
      %max3A_167 = arith.maximumf %transpose3A_83, %transpose3A_165 : vector<512x1xf32>
      %get3A_168 = arith.constant 2048 : index
      %get3A_169 = arith.constant 0 : index
      %get3A_170 = vector.load %arg4[%get3A_168, %get3A_169] : memref<4096x1024xf32, #tpu.memory_space<vmem>>, vector<1024x1024xf32>
      %dot_general3A_171 = arith.constant dense<0.000000e+00> : vector<512x1024xf32>
      %dot_general3A_172 = tpu.matmul %mul3A_14, %get3A_170, %dot_general3A_171 {dimension_numbers = #tpu.dot_dimension_numbers<[1], [1], [0], [0], [0, 0, 1, 0], [], []>, transpose_lhs_hint = false} : vector<512x1024xf32>, vector<1024x1024xf32>, vector<512x1024xf32> -> vector<512x1024xf32>
      %get3A_173 = arith.constant 0 : index
      %get3A_174 = arith.constant 2048 : index
      %get3A_175 = vector.load %arg5[%get3A_173, %get3A_174] : memref<1x4096xf32, #tpu.memory_space<vmem>>, vector<1x1024xf32>
      %add3A_176 = vector.broadcast %broadcast_in_dim3A : vector<512x1xf32> to vector<512x1024xf32>
      %add3A_177 = vector.broadcast %get3A_175 : vector<1x1024xf32> to vector<512x1024xf32>
      %add3A_178 = arith.addf %add3A_176, %add3A_177 : vector<512x1024xf32>
      %add3A_179 = arith.addf %add3A_178, %dot_general3A_172 : vector<512x1024xf32>
      %reduce_max3A_180 = arith.constant dense<0xFF800000> : vector<512xf32>
      %reduce_max3A_181 = vector.multi_reduction <maximumf>, %add3A_179, %reduce_max3A_180 [1] : vector<512x1024xf32> to vector<512xf32>
      %broadcast_in_dim3A_182 = vector.shape_cast %reduce_max3A_181 : vector<512xf32> to vector<512x1xf32>
      %transpose3A_183 = tpu.transpose %broadcast_in_dim3A_182, [1, 0] : vector<512x1xf32> -> vector<1x512xf32>
      %max3A_184 = arith.constant 0.000000e+00 : f32
      %max3A_185 = vector.broadcast %max3A_184 : f32 to vector<1x512xf32>
      %max3A_186 = arith.maximumf %transpose3A_183, %max3A_185 : vector<1x512xf32>
      %sqrt3A_187 = math.sqrt %max3A_186 : vector<1x512xf32>
      %bitcast_convert_type3A_188 = tpu.bitcast %transpose3A_183 : vector<1x512xf32> -> vector<1x512xi32>
      %sub3A_189 = arith.constant 1 : i32
      %sub3A_190 = vector.broadcast %sub3A_189 : i32 to vector<1x512xi32>
      %sub3A_191 = arith.subi %bitcast_convert_type3A_188, %sub3A_190 : vector<1x512xi32>
      %bitcast_convert_type3A_192 = tpu.bitcast %sub3A_191 : vector<1x512xi32> -> vector<1x512xf32>
      %sqrt3A_193 = math.sqrt %bitcast_convert_type3A_192 : vector<1x512xf32>
      %eq3A_194 = arith.cmpf oeq, %sqrt3A_193, %sqrt3A_187 : vector<1x512xf32>
      %select_n3A_195 = arith.select %eq3A_194, %bitcast_convert_type3A_192, %transpose3A_183 : vector<1x512xi1>, vector<1x512xf32>
      %bitcast_convert_type3A_196 = tpu.bitcast %select_n3A_195 : vector<1x512xf32> -> vector<1x512xi32>
      %sub3A_197 = arith.constant 1 : i32
      %sub3A_198 = vector.broadcast %sub3A_197 : i32 to vector<1x512xi32>
      %sub3A_199 = arith.subi %bitcast_convert_type3A_196, %sub3A_198 : vector<1x512xi32>
      %bitcast_convert_type3A_200 = tpu.bitcast %sub3A_199 : vector<1x512xi32> -> vector<1x512xf32>
      %sqrt3A_201 = math.sqrt %bitcast_convert_type3A_200 : vector<1x512xf32>
      %eq3A_202 = arith.cmpf oeq, %sqrt3A_201, %sqrt3A_187 : vector<1x512xf32>
      %select_n3A_203 = arith.select %eq3A_202, %bitcast_convert_type3A_200, %select_n3A_195 : vector<1x512xi1>, vector<1x512xf32>
      %bitcast_convert_type3A_204 = tpu.bitcast %select_n3A_203 : vector<1x512xf32> -> vector<1x512xi32>
      %sub3A_205 = arith.constant 1 : i32
      %sub3A_206 = vector.broadcast %sub3A_205 : i32 to vector<1x512xi32>
      %sub3A_207 = arith.subi %bitcast_convert_type3A_204, %sub3A_206 : vector<1x512xi32>
      %bitcast_convert_type3A_208 = tpu.bitcast %sub3A_207 : vector<1x512xi32> -> vector<1x512xf32>
      %sqrt3A_209 = math.sqrt %bitcast_convert_type3A_208 : vector<1x512xf32>
      %eq3A_210 = arith.cmpf oeq, %sqrt3A_209, %sqrt3A_187 : vector<1x512xf32>
      %select_n3A_211 = arith.select %eq3A_210, %bitcast_convert_type3A_208, %select_n3A_203 : vector<1x512xi1>, vector<1x512xf32>
      %bitcast_convert_type3A_212 = tpu.bitcast %select_n3A_211 : vector<1x512xf32> -> vector<1x512xi32>
      %sub3A_213 = arith.constant 1 : i32
      %sub3A_214 = vector.broadcast %sub3A_213 : i32 to vector<1x512xi32>
      %sub3A_215 = arith.subi %bitcast_convert_type3A_212, %sub3A_214 : vector<1x512xi32>
      %bitcast_convert_type3A_216 = tpu.bitcast %sub3A_215 : vector<1x512xi32> -> vector<1x512xf32>
      %sqrt3A_217 = math.sqrt %bitcast_convert_type3A_216 : vector<1x512xf32>
      %eq3A_218 = arith.cmpf oeq, %sqrt3A_217, %sqrt3A_187 : vector<1x512xf32>
      %select_n3A_219 = arith.select %eq3A_218, %bitcast_convert_type3A_216, %select_n3A_211 : vector<1x512xi1>, vector<1x512xf32>
      %bitcast_convert_type3A_220 = tpu.bitcast %select_n3A_219 : vector<1x512xf32> -> vector<1x512xi32>
      %sub3A_221 = arith.constant 1 : i32
      %sub3A_222 = vector.broadcast %sub3A_221 : i32 to vector<1x512xi32>
      %sub3A_223 = arith.subi %bitcast_convert_type3A_220, %sub3A_222 : vector<1x512xi32>
      %bitcast_convert_type3A_224 = tpu.bitcast %sub3A_223 : vector<1x512xi32> -> vector<1x512xf32>
      %sqrt3A_225 = math.sqrt %bitcast_convert_type3A_224 : vector<1x512xf32>
      %eq3A_226 = arith.cmpf oeq, %sqrt3A_225, %sqrt3A_187 : vector<1x512xf32>
      %select_n3A_227 = arith.select %eq3A_226, %bitcast_convert_type3A_224, %select_n3A_219 : vector<1x512xi1>, vector<1x512xf32>
      %bitcast_convert_type3A_228 = tpu.bitcast %select_n3A_227 : vector<1x512xf32> -> vector<1x512xi32>
      %sub3A_229 = arith.constant 1 : i32
      %sub3A_230 = vector.broadcast %sub3A_229 : i32 to vector<1x512xi32>
      %sub3A_231 = arith.subi %bitcast_convert_type3A_228, %sub3A_230 : vector<1x512xi32>
      %bitcast_convert_type3A_232 = tpu.bitcast %sub3A_231 : vector<1x512xi32> -> vector<1x512xf32>
      %sqrt3A_233 = math.sqrt %bitcast_convert_type3A_232 : vector<1x512xf32>
      %eq3A_234 = arith.cmpf oeq, %sqrt3A_233, %sqrt3A_187 : vector<1x512xf32>
      %select_n3A_235 = arith.select %eq3A_234, %bitcast_convert_type3A_232, %select_n3A_227 : vector<1x512xi1>, vector<1x512xf32>
      %iota3A_236 = tpu.iota {dimensions = array<i32: 1>} : vector<512x1024xi32>
      %add3A_237 = arith.constant 2048 : i32
      %add3A_238 = vector.broadcast %add3A_237 : i32 to vector<512x1024xi32>
      %add3A_239 = arith.addi %iota3A_236, %add3A_238 : vector<512x1024xi32>
      %transpose3A_240 = tpu.transpose %select_n3A_235, [1, 0] : vector<1x512xf32> -> vector<512x1xf32>
      %ge3A_241 = vector.broadcast %transpose3A_240 : vector<512x1xf32> to vector<512x1024xf32>
      %ge3A_242 = arith.cmpf oge, %add3A_179, %ge3A_241 : vector<512x1024xf32>
      %jit3A_243 = arith.constant 8192 : i32
      %broadcast_in_dim3A_244 = vector.broadcast %jit3A_243 : i32 to vector<512x1024xi32>
      %select_n3A_245 = arith.select %ge3A_242, %add3A_239, %broadcast_in_dim3A_244 : vector<512x1024xi1>, vector<512x1024xi32>
      %reduce_min3A_246 = arith.constant dense<2147483647> : vector<512xi32>
      %reduce_min3A_247 = vector.multi_reduction <minsi>, %select_n3A_245, %reduce_min3A_246 [1] : vector<512x1024xi32> to vector<512xi32>
      %broadcast_in_dim3A_248 = vector.shape_cast %reduce_min3A_247 : vector<512xi32> to vector<512x1xi32>
      %transpose3A_249 = tpu.transpose %sqrt3A_187, [1, 0] : vector<1x512xf32> -> vector<512x1xf32>
      %gt3A_250 = arith.cmpf ogt, %transpose3A_249, %max3A_167 : vector<512x1xf32>
      %select_n3A_251 = arith.select %gt3A_250, %broadcast_in_dim3A_248, %select_n3A_166 : vector<512x1xi1>, vector<512x1xi32>
      %max3A_252 = arith.maximumf %max3A_167, %transpose3A_249 : vector<512x1xf32>
      %get3A_253 = arith.constant 3072 : index
      %get3A_254 = arith.constant 0 : index
      %get3A_255 = vector.load %arg4[%get3A_253, %get3A_254] : memref<4096x1024xf32, #tpu.memory_space<vmem>>, vector<1024x1024xf32>
      %dot_general3A_256 = arith.constant dense<0.000000e+00> : vector<512x1024xf32>
      %dot_general3A_257 = tpu.matmul %mul3A_14, %get3A_255, %dot_general3A_256 {dimension_numbers = #tpu.dot_dimension_numbers<[1], [1], [0], [0], [0, 0, 1, 0], [], []>, transpose_lhs_hint = false} : vector<512x1024xf32>, vector<1024x1024xf32>, vector<512x1024xf32> -> vector<512x1024xf32>
      %get3A_258 = arith.constant 0 : index
      %get3A_259 = arith.constant 3072 : index
      %get3A_260 = vector.load %arg5[%get3A_258, %get3A_259] : memref<1x4096xf32, #tpu.memory_space<vmem>>, vector<1x1024xf32>
      %add3A_261 = vector.broadcast %broadcast_in_dim3A : vector<512x1xf32> to vector<512x1024xf32>
      %add3A_262 = vector.broadcast %get3A_260 : vector<1x1024xf32> to vector<512x1024xf32>
      %add3A_263 = arith.addf %add3A_261, %add3A_262 : vector<512x1024xf32>
      %add3A_264 = arith.addf %add3A_263, %dot_general3A_257 : vector<512x1024xf32>
      %reduce_max3A_265 = arith.constant dense<0xFF800000> : vector<512xf32>
      %reduce_max3A_266 = vector.multi_reduction <maximumf>, %add3A_264, %reduce_max3A_265 [1] : vector<512x1024xf32> to vector<512xf32>
      %broadcast_in_dim3A_267 = vector.shape_cast %reduce_max3A_266 : vector<512xf32> to vector<512x1xf32>
      %transpose3A_268 = tpu.transpose %broadcast_in_dim3A_267, [1, 0] : vector<512x1xf32> -> vector<1x512xf32>
      %max3A_269 = arith.constant 0.000000e+00 : f32
      %max3A_270 = vector.broadcast %max3A_269 : f32 to vector<1x512xf32>
      %max3A_271 = arith.maximumf %transpose3A_268, %max3A_270 : vector<1x512xf32>
      %sqrt3A_272 = math.sqrt %max3A_271 : vector<1x512xf32>
      %bitcast_convert_type3A_273 = tpu.bitcast %transpose3A_268 : vector<1x512xf32> -> vector<1x512xi32>
      %sub3A_274 = arith.constant 1 : i32
      %sub3A_275 = vector.broadcast %sub3A_274 : i32 to vector<1x512xi32>
      %sub3A_276 = arith.subi %bitcast_convert_type3A_273, %sub3A_275 : vector<1x512xi32>
      %bitcast_convert_type3A_277 = tpu.bitcast %sub3A_276 : vector<1x512xi32> -> vector<1x512xf32>
      %sqrt3A_278 = math.sqrt %bitcast_convert_type3A_277 : vector<1x512xf32>
      %eq3A_279 = arith.cmpf oeq, %sqrt3A_278, %sqrt3A_272 : vector<1x512xf32>
      %select_n3A_280 = arith.select %eq3A_279, %bitcast_convert_type3A_277, %transpose3A_268 : vector<1x512xi1>, vector<1x512xf32>
      %bitcast_convert_type3A_281 = tpu.bitcast %select_n3A_280 : vector<1x512xf32> -> vector<1x512xi32>
      %sub3A_282 = arith.constant 1 : i32
      %sub3A_283 = vector.broadcast %sub3A_282 : i32 to vector<1x512xi32>
      %sub3A_284 = arith.subi %bitcast_convert_type3A_281, %sub3A_283 : vector<1x512xi32>
      %bitcast_convert_type3A_285 = tpu.bitcast %sub3A_284 : vector<1x512xi32> -> vector<1x512xf32>
      %sqrt3A_286 = math.sqrt %bitcast_convert_type3A_285 : vector<1x512xf32>
      %eq3A_287 = arith.cmpf oeq, %sqrt3A_286, %sqrt3A_272 : vector<1x512xf32>
      %select_n3A_288 = arith.select %eq3A_287, %bitcast_convert_type3A_285, %select_n3A_280 : vector<1x512xi1>, vector<1x512xf32>
      %bitcast_convert_type3A_289 = tpu.bitcast %select_n3A_288 : vector<1x512xf32> -> vector<1x512xi32>
      %sub3A_290 = arith.constant 1 : i32
      %sub3A_291 = vector.broadcast %sub3A_290 : i32 to vector<1x512xi32>
      %sub3A_292 = arith.subi %bitcast_convert_type3A_289, %sub3A_291 : vector<1x512xi32>
      %bitcast_convert_type3A_293 = tpu.bitcast %sub3A_292 : vector<1x512xi32> -> vector<1x512xf32>
      %sqrt3A_294 = math.sqrt %bitcast_convert_type3A_293 : vector<1x512xf32>
      %eq3A_295 = arith.cmpf oeq, %sqrt3A_294, %sqrt3A_272 : vector<1x512xf32>
      %select_n3A_296 = arith.select %eq3A_295, %bitcast_convert_type3A_293, %select_n3A_288 : vector<1x512xi1>, vector<1x512xf32>
      %bitcast_convert_type3A_297 = tpu.bitcast %select_n3A_296 : vector<1x512xf32> -> vector<1x512xi32>
      %sub3A_298 = arith.constant 1 : i32
      %sub3A_299 = vector.broadcast %sub3A_298 : i32 to vector<1x512xi32>
      %sub3A_300 = arith.subi %bitcast_convert_type3A_297, %sub3A_299 : vector<1x512xi32>
      %bitcast_convert_type3A_301 = tpu.bitcast %sub3A_300 : vector<1x512xi32> -> vector<1x512xf32>
      %sqrt3A_302 = math.sqrt %bitcast_convert_type3A_301 : vector<1x512xf32>
      %eq3A_303 = arith.cmpf oeq, %sqrt3A_302, %sqrt3A_272 : vector<1x512xf32>
      %select_n3A_304 = arith.select %eq3A_303, %bitcast_convert_type3A_301, %select_n3A_296 : vector<1x512xi1>, vector<1x512xf32>
      %bitcast_convert_type3A_305 = tpu.bitcast %select_n3A_304 : vector<1x512xf32> -> vector<1x512xi32>
      %sub3A_306 = arith.constant 1 : i32
      %sub3A_307 = vector.broadcast %sub3A_306 : i32 to vector<1x512xi32>
      %sub3A_308 = arith.subi %bitcast_convert_type3A_305, %sub3A_307 : vector<1x512xi32>
      %bitcast_convert_type3A_309 = tpu.bitcast %sub3A_308 : vector<1x512xi32> -> vector<1x512xf32>
      %sqrt3A_310 = math.sqrt %bitcast_convert_type3A_309 : vector<1x512xf32>
      %eq3A_311 = arith.cmpf oeq, %sqrt3A_310, %sqrt3A_272 : vector<1x512xf32>
      %select_n3A_312 = arith.select %eq3A_311, %bitcast_convert_type3A_309, %select_n3A_304 : vector<1x512xi1>, vector<1x512xf32>
      %bitcast_convert_type3A_313 = tpu.bitcast %select_n3A_312 : vector<1x512xf32> -> vector<1x512xi32>
      %sub3A_314 = arith.constant 1 : i32
      %sub3A_315 = vector.broadcast %sub3A_314 : i32 to vector<1x512xi32>
      %sub3A_316 = arith.subi %bitcast_convert_type3A_313, %sub3A_315 : vector<1x512xi32>
      %bitcast_convert_type3A_317 = tpu.bitcast %sub3A_316 : vector<1x512xi32> -> vector<1x512xf32>
      %sqrt3A_318 = math.sqrt %bitcast_convert_type3A_317 : vector<1x512xf32>
      %eq3A_319 = arith.cmpf oeq, %sqrt3A_318, %sqrt3A_272 : vector<1x512xf32>
      %select_n3A_320 = arith.select %eq3A_319, %bitcast_convert_type3A_317, %select_n3A_312 : vector<1x512xi1>, vector<1x512xf32>
      %iota3A_321 = tpu.iota {dimensions = array<i32: 1>} : vector<512x1024xi32>
      %add3A_322 = arith.constant 3072 : i32
      %add3A_323 = vector.broadcast %add3A_322 : i32 to vector<512x1024xi32>
      %add3A_324 = arith.addi %iota3A_321, %add3A_323 : vector<512x1024xi32>
      %transpose3A_325 = tpu.transpose %select_n3A_320, [1, 0] : vector<1x512xf32> -> vector<512x1xf32>
      %ge3A_326 = vector.broadcast %transpose3A_325 : vector<512x1xf32> to vector<512x1024xf32>
      %ge3A_327 = arith.cmpf oge, %add3A_264, %ge3A_326 : vector<512x1024xf32>
      %jit3A_328 = arith.constant 8192 : i32
      %broadcast_in_dim3A_329 = vector.broadcast %jit3A_328 : i32 to vector<512x1024xi32>
      %select_n3A_330 = arith.select %ge3A_327, %add3A_324, %broadcast_in_dim3A_329 : vector<512x1024xi1>, vector<512x1024xi32>
      %reduce_min3A_331 = arith.constant dense<2147483647> : vector<512xi32>
      %reduce_min3A_332 = vector.multi_reduction <minsi>, %select_n3A_330, %reduce_min3A_331 [1] : vector<512x1024xi32> to vector<512xi32>
      %broadcast_in_dim3A_333 = vector.shape_cast %reduce_min3A_332 : vector<512xi32> to vector<512x1xi32>
      %transpose3A_334 = tpu.transpose %sqrt3A_272, [1, 0] : vector<1x512xf32> -> vector<512x1xf32>
      %gt3A_335 = arith.cmpf ogt, %transpose3A_334, %max3A_252 : vector<512x1xf32>
      %select_n3A_336 = arith.select %gt3A_335, %broadcast_in_dim3A_333, %select_n3A_251 : vector<512x1xi1>, vector<512x1xi32>
      %swap3A = arith.constant 0 : index
      %swap3A_337 = arith.constant 0 : index
      %swap3A_338 = vector.load %arg3[%swap3A, %swap3A_337] : memref<512x1xi32, #tpu.memory_space<vmem>>, vector<512x1xi32>
      tpu.vector_store %arg3[%swap3A, %swap3A_337], %select_n3A_336 {strides = array<i32>} : memref<512x1xi32, #tpu.memory_space<vmem>>, vector<512x1xi32>,
    } else {
    }
    return
  }
  func.func @transform_0(%arg0: i32, %arg1: i32) -> (i32, i32) {
    %c0_i32 = arith.constant 0 : i32
    %c0_i32_0 = arith.constant 0 : i32
    return %arg1, %c0_i32 : i32, i32
  }
  func.func @transform_1(%arg0: i32, %arg1: i32) -> (i32, i32) {
    %c0_i32 = arith.constant 0 : i32
    %c0_i32_0 = arith.constant 0 : i32
    return %arg1, %c0_i32 : i32, i32
  }
}

module attributes {stable_mosaic.version = 14 : i64} {
  func.func @_ep_body(%arg0: i32, %arg1: i32, %arg2: memref<512x1024xf32, #tpu.memory_space<vmem>>, %arg3: memref<512x1024xf32, #tpu.memory_space<vmem>>, %arg4: memref<512x1024xf32, #tpu.memory_space<vmem>>, %arg5: memref<1x1024xf32, #tpu.memory_space<vmem>>) attributes {dimension_semantics = [#tpu.dimension_semantics<arbitrary>, #tpu.dimension_semantics<arbitrary>], iteration_bounds = array<i64: 2, 8>, scalar_prefetch = 0 : i64, scratch_operands = 1 : i64, tpu.core_type = #tpu.core_type<tc>, window_params = [{transform_indices = @transform_0, window_bounds = array<i64: 512, 1024>}, {transform_indices = @transform_1, window_bounds = array<i64: 512, 1024>}, {transform_indices = @transform_2, window_bounds = array<i64: 512, 1024>}]} {
    %eq3A = arith.constant 0 : i32
    %eq3A_0 = arith.cmpi eq, %arg0, %eq3A : i32
    %eq3A_1 = arith.constant 0 : i32
    %eq3A_2 = arith.cmpi eq, %arg1, %eq3A_1 : i32
    %and3A = arith.andi %eq3A_0, %eq3A_2 : i1
    %convert_element_type3A = arith.extui %and3A : i1 to i32
    %cond3A = arith.constant 0 : i32
    %cond3A_3 = arith.cmpi ne, %convert_element_type3A, %cond3A : i32
    scf.if %cond3A_3 {
      %broadcast_in_dim3A = arith.constant 0.000000e+00 : f32
      %broadcast_in_dim3A_16 = vector.broadcast %broadcast_in_dim3A : f32 to vector<1x1024xf32>
      %swap3A = arith.constant 0 : index
      %swap3A_17 = arith.constant 0 : index
      %swap3A_18 = vector.load %arg5[%swap3A, %swap3A_17] : memref<1x1024xf32, #tpu.memory_space<vmem>>, vector<1x1024xf32>
      tpu.vector_store %arg5[%swap3A, %swap3A_17], %broadcast_in_dim3A_16 {strides = array<i32>} : memref<1x1024xf32, #tpu.memory_space<vmem>>, vector<1x1024xf32>,
    } else {
    }
    %eq3A_4 = arith.constant 0 : i32
    %eq3A_5 = arith.cmpi eq, %arg0, %eq3A_4 : i32
    %convert_element_type3A_6 = arith.extui %eq3A_5 : i1 to i32
    %cond3A_7 = arith.constant 0 : i32
    %cond3A_8 = arith.cmpi ne, %convert_element_type3A_6, %cond3A_7 : i32
    scf.if %cond3A_8 {
      %get3A = arith.constant 0 : index
      %get3A_16 = arith.constant 0 : index
      %get3A_17 = vector.load %arg5[%get3A, %get3A_16] : memref<1x1024xf32, #tpu.memory_space<vmem>>, vector<1x1024xf32>
      %get3A_18 = arith.constant 0 : index
      %get3A_19 = arith.constant 0 : index
      %get3A_20 = vector.load %arg2[%get3A_18, %get3A_19] : memref<512x1024xf32, #tpu.memory_space<vmem>>, vector<512x1024xf32>
      %reduce_sum3A = arith.constant dense<0.000000e+00> : vector<1024xf32>
      %reduce_sum3A_21 = vector.multi_reduction <add>, %get3A_20, %reduce_sum3A [0] : vector<512x1024xf32> to vector<1024xf32>
      %broadcast_in_dim3A = vector.shape_cast %reduce_sum3A_21 : vector<1024xf32> to vector<1x1024xf32>
      %add3A = arith.addf %get3A_17, %broadcast_in_dim3A : vector<1x1024xf32>
      %swap3A = arith.constant 0 : index
      %swap3A_22 = arith.constant 0 : index
      %swap3A_23 = vector.load %arg5[%swap3A, %swap3A_22] : memref<1x1024xf32, #tpu.memory_space<vmem>>, vector<1x1024xf32>
      tpu.vector_store %arg5[%swap3A, %swap3A_22], %add3A {strides = array<i32>} : memref<1x1024xf32, #tpu.memory_space<vmem>>, vector<1x1024xf32>,
    } else {
    }
    %eq3A_9 = arith.constant 1 : i32
    %eq3A_10 = arith.cmpi eq, %arg0, %eq3A_9 : i32
    %convert_element_type3A_11 = arith.extui %eq3A_10 : i1 to i32
    %cond3A_12 = arith.constant 4.096000e+03 : f32
    %cond3A_13 = arith.constant 2.44081035E-4 : f32
    %cond3A_14 = arith.constant 0 : i32
    %cond3A_15 = arith.cmpi ne, %convert_element_type3A_11, %cond3A_14 : i32
    scf.if %cond3A_15 {
      %get3A = arith.constant 0 : index
      %get3A_16 = arith.constant 0 : index
      %get3A_17 = vector.load %arg3[%get3A, %get3A_16] : memref<512x1024xf32, #tpu.memory_space<vmem>>, vector<512x1024xf32>
      %get3A_18 = arith.constant 0 : index
      %get3A_19 = arith.constant 0 : index
      %get3A_20 = vector.load %arg5[%get3A_18, %get3A_19] : memref<1x1024xf32, #tpu.memory_space<vmem>>, vector<1x1024xf32>
      %get3A_21 = arith.constant 0 : index
      %get3A_22 = arith.constant 0 : index
      %get3A_23 = vector.load %arg2[%get3A_21, %get3A_22] : memref<512x1024xf32, #tpu.memory_space<vmem>>, vector<512x1024xf32>
      %mul3A = vector.broadcast %cond3A_12 : f32 to vector<512x1024xf32>
      %mul3A_24 = arith.mulf %mul3A, %get3A_23 : vector<512x1024xf32>
      %sub3A = vector.broadcast %get3A_20 : vector<1x1024xf32> to vector<512x1024xf32>
      %sub3A_25 = arith.subf %sub3A, %mul3A_24 : vector<512x1024xf32>
      %mul3A_26 = vector.broadcast %cond3A_13 : f32 to vector<512x1024xf32>
      %mul3A_27 = arith.mulf %sub3A_25, %mul3A_26 : vector<512x1024xf32>
      %add3A = arith.addf %get3A_17, %mul3A_27 : vector<512x1024xf32>
      %swap3A = arith.constant 0 : index
      %swap3A_28 = arith.constant 0 : index
      %swap3A_29 = vector.load %arg4[%swap3A, %swap3A_28] : memref<512x1024xf32, #tpu.memory_space<vmem>>, vector<512x1024xf32>
      tpu.vector_store %arg4[%swap3A, %swap3A_28], %add3A {strides = array<i32>} : memref<512x1024xf32, #tpu.memory_space<vmem>>, vector<512x1024xf32>,
    } else {
    }
    return
  }
  func.func @transform_0(%arg0: i32, %arg1: i32) -> (i32, i32) {
    %c0_i32 = arith.constant 0 : i32
    %c0_i32_0 = arith.constant 0 : i32
    return %arg1, %c0_i32 : i32, i32
  }
  func.func @transform_1(%arg0: i32, %arg1: i32) -> (i32, i32) {
    %mul3A = arith.muli %arg0, %arg1 : i32
    %c0_i32 = arith.constant 0 : i32
    %c0_i32_0 = arith.constant 0 : i32
    return %mul3A, %c0_i32 : i32, i32
  }
  func.func @transform_2(%arg0: i32, %arg1: i32) -> (i32, i32) {
    %mul3A = arith.muli %arg0, %arg1 : i32
    %c0_i32 = arith.constant 0 : i32
    %c0_i32_0 = arith.constant 0 : i32
    return %mul3A, %c0_i32 : i32, i32
  }
}

</mosaic_0001>

<sc_bundles>
// kernel: kernel.5.cloned.1.call-start
scs
__scs_entry_jumppad:
0x0: {  	(pc) =	sbr.rel $0x88, $3  }
0x1: {  	(tag) =	ssettag $0x0;
	lr =	simm.s32 $0x1  }
0x2: {  	[smem:$0x3FA0] =	sst lr;
	_ =	strace $0xD0000000  }
0x3: {  	_ = 	snop  }
0x4: {  	_ = 	snop  }
0x5: {  	_ = 	snop  }
0x6: {  	_ = 	snop  }
0x7: {  	_ = 	snop  }
__scs_overlays_trampoline_lowered:
0x8: {  	[smem:$0x3FAF] =	sst s0  }
0x9: {  	[smem:$0x3FB0] =	sst s1  }
0xa: {  	[smem:$0x3FB1] =	sst s2  }
0xb: {  	[smem:$0x3FB2] =	sst s3  }
0xc: {  	[smem:$0x3FB3] =	sst s4  }
0xd: {  	[smem:$0x3FB4] =	sst s5  }
0xe: {  	[smem:$0x3FB5] =	sst s6  }
0xf: {  	[smem:$0x3FB6] =	sst s7  }
0x10: {  	[smem:$0x3FB7] =	sst s8  }
0x11: {  	[smem:$0x3FB8] =	sst s9;
	s0 =	simm.s32 @!p0 $0x0  }
0x12: {  	s1 =	sld [smem:$0x3F9E];
	s0 =	simm.s32 @p0 $0x1  }
0x13: {  	[smem:$0x3FB9] =	sst s0;
	s0 =	simm.s32 @!p1 $0x0  }
0x14: {  	s2 =	sld [smem:$0x3F9D];
	s0 =	simm.s32 @p1 $0x1  }
0x15: {  	[smem:$0x3FBA] =	sst s0;
	s0 =	simm.s32 @!p2 $0x0  }
0x16: {  	s3 =	sld [smem:$0x3FDB];
	s0 =	simm.s32 @p2 $0x1  }
0x17: {  	s4 =	simm.s32 $0x1BF5;
	[smem:$0x3FBC] =	sst s0  }
0x18: {  	s0 =	sld [smem:$0x3F9F];
	_ =	swait.ge [sflag:s4], $0x0  }
0x19: {  	s7 =	sld [smem:$0x3FA0]  }
0x1a: {  	s8 =	sadd.s32 $0xFFFFE003, lr  }
0x1b: {  	s9 =	sadd.s32 $0xFFFFFEF7, lr;
	s5 =	simm.s32 $0xFFFFFFFF;
	p2 =	slt.u32 s8, $0xFFFFF086  }
0x1c: {  	p1 =	slt.u32 s9, $0xF7A;
	s5 =	simm.s32 @!p2 $0x0  }
0x1d: {  	s5 =	simm.s32 @p1 $0x1;
	p0 =	seq.s32 s7, s2  }
0x1e: {  	s7 =	smul.u32 @!p0 $0xF7A, s2;
	p2 =	seq.s32 @!p0 s5, $0x0  }
0x1f: {  	s9 =	smul.u32 $0xF7A, s1;
	s8 =	simm.s32 @!p0 $0x1BF5;
	p2 =	por !p2, p0  }
0x20: {  	[sflag:s8] =	ssyncset.s32 @!p0 $0xFFFFF086;
	s6 =	sadd.s32 @!p0 s3, s7;
	s7 =	simm.s32 @!p0 $0x108  }
0x21: {  	s3 =	sadd.s32 s3, s9;
	s6 =	sadd.s32 @!p0 $0x88, s6;
	s7 =	simm.s32 @p2 $0x1082  }
0x22: {  	[simem:s7], [sflag:s8] =	dma.local @!p0 [hbm:s6], $0xF7A  }
0x23: {  	s9 =	sor.u32 $0xD0000000, s2;
	s6 =	simm.s32 $0x108;
	_ =	swait.ge @!p0 [sflag:s8], $0x0  }
0x24: {  	s3 =	sadd.s32 $0x88, s3;
	s6 =	simm.s32 @!p1 $0x1082;
	[sflag:s4] =	ssyncset.s32 $0xFFFFF086  }
0x25: {  	[simem:s6], [sflag:s4] =	dma.local [hbm:s3], $0xF7A  }
0x26: {  	[smem:$0x3FA0] =	sst s1;
	(tag) =	ssettag s2;
	_ =	strace s9  }
0x27: {  	s1 =	sld [smem:$0x3FB0]  }
0x28: {  	s2 =	sld [smem:$0x3FB1]  }
0x29: {  	s4 =	sld [smem:$0x3FB3]  }
0x2a: {  	p0 =	seq.s32 s5, $0x0;
	s5 =	sld [smem:$0x3FB4]  }
0x2b: {  	s6 =	sld [smem:$0x3FB5]  }
0x2c: {  	s7 =	sld [smem:$0x3FB6]  }
0x2d: {  	s3 =	simm.s32 $0x108;
	s8 =	sld [smem:$0x3FB7]  }
0x2e: {  	s3 =	simm.s32 @!p0 $0x1082;
	s9 =	sld [smem:$0x3FB8]  }
0x2f: {  	lr =	sadd.s32 s0, s3;
	s0 =	sld [smem:$0x3FAF]  }
0x30: {  	s3 =	sld [smem:$0x3FB2]  }
0x31: {  	[smem:$0x3FBB] =	sst s10  }
0x32: {  	s10 =	sld [smem:$0x3FB9];
	_ =	sdelay $0x3  }
0x33: {  	p0 =	seq.s32 s10, $0x1;
	s10 =	sld [smem:$0x3FBB];
	_ =	sdelay $0x3  }
0x34: {  	[smem:$0x3FBB] =	sst s10  }
0x35: {  	s10 =	sld [smem:$0x3FBA];
	_ =	sdelay $0x3  }
0x36: {  	p1 =	seq.s32 s10, $0x1;
	s10 =	sld [smem:$0x3FBB];
	_ =	sdelay $0x3  }
0x37: {  	[smem:$0x3FBB] =	sst s10  }
0x38: {  	s10 =	sld [smem:$0x3FBC]  }
0x39: {  	_ = 	snop;
	(pc) =	sbr.ind lr, $3  }
0x3a: {  	_ = 	snop  }
0x3b: {  	_ = 	snop  }
0x3c: {  	p2 =	seq.s32 s10, $0x1;
	s10 =	sld [smem:$0x3FBB]  }
0x3d: {  	_ =	shalt  }
0x3e: {  	_ =	shalt  }
0x3f: {  	_ =	shalt  }
0x40: {  	_ =	shalt  }
0x41: {  	_ =	shalt  }
0x42: {  	_ =	shalt  }
0x43: {  	_ =	shalt  }
0x44: {  	_ =	shalt  }
0x45: {  	_ =	shalt  }
0x46: {  	_ =	shalt  }
0x47: {  	_ =	shalt  }
0x48: {  	_ =	shalt  }
0x49: {  	_ =	shalt  }
0x4a: {  	_ =	shalt  }
0x4b: {  	_ =	shalt  }
0x4c: {  	_ =	shalt  }
0x4d: {  	_ =	shalt  }
0x4e: {  	_ =	shalt  }
0x4f: {  	_ =	shalt  }
0x50: {  	_ =	shalt  }
0x51: {  	_ =	shalt  }
0x52: {  	_ =	shalt  }
0x53: {  	_ =	shalt  }
0x54: {  	_ =	shalt  }
0x55: {  	_ =	shalt  }
0x56: {  	_ =	shalt  }
0x57: {  	_ =	shalt  }
0x58: {  	_ =	shalt  }
0x59: {  	_ =	shalt  }
0x5a: {  	_ =	shalt  }
0x5b: {  	_ =	shalt  }
0x5c: {  	_ =	shalt  }
0x5d: {  	_ =	shalt  }
0x5e: {  	_ =	shalt  }
0x5f: {  	_ =	shalt  }
0x60: {  	_ =	shalt  }
0x61: {  	_ =	shalt  }
0x62: {  	_ =	shalt  }
0x63: {  	_ =	shalt  }
0x64: {  	_ =	shalt  }
0x65: {  	_ =	shalt  }
0x66: {  	_ =	shalt  }
0x67: {  	_ =	shalt  }
0x68: {  	_ =	shalt  }
0x69: {  	_ =	shalt  }
0x6a: {  	_ =	shalt  }
0x6b: {  	_ =	shalt  }
0x6c: {  	_ =	shalt  }
0x6d: {  	_ =	shalt  }
0x6e: {  	_ =	shalt  }
0x6f: {  	_ =	shalt  }
0x70: {  	_ =	shalt  }
0x71: {  	_ =	shalt  }
0x72: {  	_ =	shalt  }
0x73: {  	_ =	shalt  }
0x74: {  	_ =	shalt  }
0x75: {  	_ =	shalt  }
0x76: {  	_ =	shalt  }
0x77: {  	_ =	shalt  }
0x78: {  	_ =	shalt  }
0x79: {  	_ =	shalt  }
0x7a: {  	_ =	shalt  }
0x7b: {  	_ =	shalt  }
0x7c: {  	_ =	shalt  }
0x7d: {  	_ =	shalt  }
0x7e: {  	_ =	shalt  }
0x7f: {  	_ =	shalt  }
0x80: {  	_ =	shalt  }
0x81: {  	_ =	shalt  }
0x82: {  	_ =	shalt  }
0x83: {  	_ =	shalt  }
0x84: {  	_ =	shalt  }
0x85: {  	_ =	shalt  }
0x86: {  	_ =	shalt  }
0x87: {  	_ =	shalt  }
.Lfunc_end0:
.L_simem_size_0:
called_computation_lowered:
.L_overlay_start_0:
0x88: {  	s2 =	sld [smem:$0x3FD9]  }
0x89: {  	s3 =	sld [smem:$0x3FFE];
	_ =	sdelay $0x1  }
0x8a: {  	s1 =	srdreg.scid  }
0x8b: {  	s0 =	sand.u32 $0x1, s1  }
0x8c: {  	s17 =	sshll.u32 s0, $0xA;
	s2 =	sadd.s32 s3, s2  }
0x8d: {  	s2 =	sadd.s32 s2, s17  }
0x8e: {  	[smem:$0x3FC7] =	sst s2  }
0x8f: {  	_ = 	snop  }
0x90: {  	s2 =	sld [smem:$0x3FC9]  }
0x91: {  	s18 =	sld [smem:$0x3FD0];
	(tm) =	ssettm $0x1  }
0x92: {  	s4 =	sld [smem:$0x3FFB];
	_ =	sdelay $0x3  }
0x93: {  	_ =	strace s4  }
0x94: {  	s4 =	sld [smem:$0x3FFC];
	_ =	sdelay $0x3  }
0x95: {  	_ =	strace s4  }
0x96: {  	s4 =	sld [smem:$0x3FFD];
	_ =	sdelay $0x3  }
0x97: {  	_ =	strace s4  }
0x98: {  	_ =	strace $0x8FFFFFFF  }
0x99: {  	s19 =	sld [smem:$0x3FDB];
	_ =	sdelay $0x1  }
0x9a: {  	s5 =	simm.s32 $_scs_section_size  }
0x9b: {  	s6 =	simm.s32 $_size__tile_overlayer_lowered;
	s7 =	simm.s32 $_tile_overlayer_lowered  }
0x9c: {  	s22 =	simm.s32 $0x1BFF;
	s21 =	sshll.u32 s7, $0x1;
	s4 =	sadd.s32 s5, s19  }
0x9d: {  	s8 =	simm.s32 $0x0;
	s20 =	sshll.u32 s6, $0x1;
	s6 =	sadd.s32 s21, s4  }
0x9e: {  	[timem:s8], [sflag:s22] =	dma.local [hbm:s6], s20  }
0x9f: {  	_ =	swait.ge [sflag:s22], s20  }
0xa0: {  	s5 =	ssub.s32 $0x0, s20;
	[sflag:s22] =	ssyncset.done $0x0  }
0xa1: {  	[sflag:s22] =	ssyncadd.s32 s5;
	_ =	sdelay $0x1  }
0xa2: {  	s23 =	simm.s32 $0x1B8B  }
0xa3: {  	_ =	swait.ge [sflag:s23], $0x1  }
0xa4: {  	[sflag:s23] =	ssyncset.done $0x0  }
0xa5: {  	s25 =	simm.s32 $0x1B8E;
	s24 =	sld [smem:$0x3FFE];
	[sflag:s23] =	ssyncadd.s32 $0xFFFFFFFF  }
0xa6: {  	s26 =	simm.s32 $execute0_lowered;
	[smem:$0x3FD2] =	sst s25  }
0xa7: {  	s6 =	sshll.u32 s26, $0x1;
	_ =	strace $0x80000046;
	[dreg:$0x1] =	wrdreg $0xFFFFFFFF  }
0xa8: {  	s28 =	simm.s32 $_size_execute0_lowered;
	s4 =	sadd.s32 s4, s6;
	[dreg:$0x0] =	wrdreg $0x0  }
0xa9: {  	s6 =	sshll.u32 s28, $0x1;
	[dreg:$0x2] =	wrdreg s4  }
0xaa: {  	[dreg:$0x3] =	wrdreg s6  }
0xab: {  	[dreg:$0x4] =	wrdreg $0xC0  }
0xac: {  	_ =	task [dreg:s8], $0x5FFFF  }
0xad: {  	[dreg:$0x1] =	wrdreg $0xFFFFFFFF  }
0xae: {  	[dreg:$0x0] =	wrdreg $0x60  }
0xaf: {  	[dreg:$0x2] =	wrdreg s2  }
0xb0: {  	[dreg:$0x3] =	wrdreg s24  }
0xb1: {  	[dreg:$0x4] =	wrdreg s18  }
0xb2: {  	[dreg:$0x5] =	wrdreg $0x9  }
0xb3: {  	_ =	task.clear_ibuf [dreg:s8], $0x6FFFF;
	_ =	strace $0x90000046  }
0xb4: {  	s29 =	simm.s32 $0x9;
	_ =	strace $0x80000048  }
0xb5: {  	_ =	swait.ge [sflag:s29], $0x1  }
0xb6: {  	[sflag:s29] =	ssyncadd.s32 $0xFFFFFFFF  }
0xb7: {  	_ =	strace $0x90000048  }
0xb8: {  	_ =	sfence  }
0xb9: {  	s30 =	sld [smem:$0x0];
	_ =	sdelay $0x2  }
0xba: {  	s31 =	sshll.u32 s1, $0xD;
	s1 =	sshrl.u32 s1, $0x2  }
0xbb: {  	s3 =	sand.u32 $0x4000, s31;
	s1 =	sadd.s32 s1, s30  }
0xbc: {  	s0 =	sor.u32 s3, s0;
	s1 =	sshll.u32 s1, $0x11  }
0xbd: {  	s0 =	sor.u32 s1, s0  }
0xbe: {  	s0 =	sadd.s32 $0x8F2B, s0  }
0xbf: {  	[sflag:s0] =	ssyncadd.remote.s32 $0x1  }
0xc0: {  	_ =	sfence.sel $0xFFFF  }
0xc1: {  	[dreg:$0x0] =	wrdreg $0xFFFFFFFF;
	(pc) =	sbr.abs _section_cstart, $3  }
0xc2: {  	[dreg:$0x1] =	wrdreg $0xFFFFFFFF  }
0xc3: {  	_ =	task.clear_ibuf [dreg:s8], $0x2FFFF;
	_ =	strace $0x9FFFFFFF  }
0xc4: {  	(tm) =	ssettm $0x7FFFFFFF  }
0xc5: {  	_ =	shalt  }
tec
execute0_lowered:
.L_overlay_start_1:
0x0: {  	(tag) =	ssettag $0x1  }
0x1: {  	s1 =	rddreg [dreg:$0x0];
	s0 =	srdreg.scid  }
0x2: {  	s2 =	rddreg [dreg:$0x1];
	s3 =	stileid.u32  }
0x3: {  	s5 =	simm.s32 $0x0;
	s11 =	simm.s32 $0x2;
	s12 =	simm.s32 $0x80  }
0x4: {  	s21 =	simm.s32 $0x1;
	s13 =	simm.s32 $0x6880;
	s14 =	simm.s32 $0x7080  }
0x5: {  	s15 =	simm.s32 $0x7880;
	s16 =	simm.s32 $0x8080;
	s17 =	simm.s32 $0x8880  }
0x6: {  	s18 =	simm.s32 $0x9080;
	s19 =	simm.s32 $0x9880;
	s20 =	simm.s32 $0xA080  }
0x7: {  	s24 =	simm.s32 $0xA880;
	s25 =	simm.s32 $0xB080;
	s23 =	simm.s32 $0xC080  }
0x8: {  	s28 =	simm.s32 $0xC880;
	s29 =	simm.s32 $0xD080;
	s30 =	simm.s32 $0xD880  }
0x9: {  	s31 =	simm.s32 $0xE080;
	s6 =	simm.s32 $0xF880;
	s0 =	sand.u32 $0x1, s0  }
0xa: {  	s3 =	sshll.u32 s3, $0x8;
	[smem:$0x7FF] =	sst s5;
	s7 =	sadd.s32 $0x100, s1  }
0xb: {  	s8 =	sadd.s32 $0x200, s1;
	s4 =	sshll.u32 s0, $0x7;
	s0 =	ssub.s32 $0x2, s0  }
0xc: {  	s9 =	sadd.s32 $0x300, s1;
	s4 =	sor.u32 s4, s3;
	s26 =	sshrl.u32 s0, $0x1  }
0xd: {  	_ =	strace $0x80000047;
	s3 =	sshrl.u32 s4, $0x3;
	s0 =	ssub.s32 s0, s26  }
0xe: {  	v2 =	vlaneseq.u32;
	s26 =	simm.s32 $0xB880;
	s2 =	sadd.s32 s3, s2;
	s0 =	smax.u32 s0, $0x1  }
0xf: {  	vm0 =	vmmov $0xffff;
	v1 =	vshrl.u32 v2, $0x3;
	s3 =	simm.s32 $0x6080;
	s2 =	sadd.s32 $0x400, s2;
	[dreg:$0x5] =	wrdreg s0  }
0x10: {  	v0 =	vand.u32 $0x7, v2;
	v2 =	vor.u32 $0x8, v2;
	v1 =	vmul.u32 $0x8, v1;
	s0 =	simm.s32 $0x0;
	[dreg:$0x4] =	wrdreg s2;
	s2 =	simm.s32 $0xE880  }
.LBB2_1:
0x11: {  	[dreg:$0x6] =	wrdreg s0  }
0x12: {  	s22 =	rddreg [dreg:$0x4]  }
0x13: {  	[tilespmem:s5], [sflag:$0x2] =	stream.linear.gather [hbm4b:s22+s5], $0x80, $0x38;
	[tilespmem:$0x10080] =	vst v63  }
0x14: {  	_ =	swait.ge [sflag:s11], $0x80  }
0x15: {  	p0 =	por $0x1, $0x1;
	[sflag:s11] =	ssyncset.done $0x0  }
0x16: {  	s0 =	simm.s32 $0xF080;
	s22 =	simm.s32 $0x0;
	[sflag:s11] =	ssyncadd.s32 $0xFFFFFF80  }
.LBB2_2:
0x17: {  	v3 =	vld [tilespmem:s22+$0x0];
	_ =	sdelay $0x4  }
0x18: {  	v4 =	vshll.u32 v3, $0x3  }
0x19: {  	v3 =	vand.u32 $0x7, v3;
	v4 =	vand.u32 $0xFFFFFFC0, v4  }
0x1a: {  	v3 =	vor.u32 v3, v4  }
0x1b: {  	v4 =	vperm.xlane v3, v0;
	_ =	sdelay $0x1  }
0x1c: {  	v4 =	vadd.s32 v1, v4;
	_ =	sdelay $0x4  }
0x1d: {  	[tilespmem:s12], [sflag:$0x1] =	stream.indirect_vreg.gather [hbm4b:s1+s5], $0x80, v4, vm0, $0xb8;
	[tilespmem:$0x10080] =	vst v63  }
0x1e: {  	s10 =	simm.s32 $0x880;
	v3 =	vperm.xlane v3, v2  }
0x1f: {  	[tilespmem:s10], [sflag:$0x1] =	stream.indirect_vreg.gather [hbm4b:s7+s5], $0x80, v4, vm0, $0xb8;
	[tilespmem:$0x10080] =	vst v63  }
0x20: {  	v3 =	vadd.s32 v1, v3;
	s10 =	simm.s32 $0x1080  }
0x21: {  	[tilespmem:s10], [sflag:$0x1] =	stream.indirect_vreg.gather [hbm4b:s8+s5], $0x80, v4, vm0, $0xb8;
	[tilespmem:$0x10080] =	vst v63  }
0x22: {  	s10 =	simm.s32 $0x1880  }
0x23: {  	[tilespmem:s10], [sflag:$0x1] =	stream.indirect_vreg.gather [hbm4b:s9+s5], $0x80, v4, vm0, $0xb8;
	[tilespmem:$0x10080] =	vst v63  }
0x24: {  	s10 =	simm.s32 $0x2080  }
0x25: {  	[tilespmem:s10], [sflag:$0x1] =	stream.indirect_vreg.gather [hbm4b:s1+s5], $0x80, v3, vm0, $0xb8;
	[tilespmem:$0x10080] =	vst v63  }
0x26: {  	s10 =	simm.s32 $0x2880  }
0x27: {  	[tilespmem:s10], [sflag:$0x1] =	stream.indirect_vreg.gather [hbm4b:s7+s5], $0x80, v3, vm0, $0xb8;
	[tilespmem:$0x10080] =	vst v63  }
0x28: {  	s10 =	simm.s32 $0x3080  }
0x29: {  	[tilespmem:s10], [sflag:$0x1] =	stream.indirect_vreg.gather [hbm4b:s8+s5], $0x80, v3, vm0, $0xb8;
	[tilespmem:$0x10080] =	vst v63  }
0x2a: {  	s10 =	simm.s32 $0x3880  }
0x2b: {  	[tilespmem:s10], [sflag:$0x1] =	stream.indirect_vreg.gather [hbm4b:s9+s5], $0x80, v3, vm0, $0xb8;
	[tilespmem:$0x10080] =	vst v63  }
0x2c: {  	v3 =	vld [tilespmem:s22+$0x10];
	_ =	sdelay $0x4  }
0x2d: {  	v61 =	vshll.u32 v3, $0x3  }
0x2e: {  	v3 =	vand.u32 $0x7, v3;
	v4 =	vand.u32 $0xFFFFFFC0, v61  }
0x2f: {  	v3 =	vor.u32 v3, v4  }
0x30: {  	v4 =	vperm.xlane v3, v0;
	_ =	sdelay $0x1  }
0x31: {  	v4 =	vadd.s32 v1, v4;
	_ =	sdelay $0x3  }
0x32: {  	s10 =	simm.s32 $0x4080  }
0x33: {  	[tilespmem:s10], [sflag:$0x1] =	stream.indirect_vreg.gather [hbm4b:s1+s5], $0x80, v4, vm0, $0xb8;
	[tilespmem:$0x10080] =	vst v63  }
0x34: {  	v3 =	vperm.xlane v3, v2;
	s10 =	simm.s32 $0x4880  }
0x35: {  	[tilespmem:s10], [sflag:$0x1] =	stream.indirect_vreg.gather [hbm4b:s7+s5], $0x80, v4, vm0, $0xb8;
	[tilespmem:$0x10080] =	vst v63  }
0x36: {  	v3 =	vadd.s32 v1, v3;
	s10 =	simm.s32 $0x5080  }
0x37: {  	[tilespmem:s10], [sflag:$0x1] =	stream.indirect_vreg.gather [hbm4b:s8+s5], $0x80, v4, vm0, $0xb8;
	[tilespmem:$0x10080] =	vst v63  }
0x38: {  	s10 =	simm.s32 $0x5880  }
0x39: {  	[tilespmem:s10], [sflag:$0x1] =	stream.indirect_vreg.gather [hbm4b:s9+s5], $0x80, v4, vm0, $0xb8;
	[tilespmem:$0x10080] =	vst v63  }
0x3a: {  	_ = 	snop  }
0x3b: {  	[tilespmem:s3], [sflag:$0x1] =	stream.indirect_vreg.gather [hbm4b:s1+s5], $0x80, v3, vm0, $0xb8;
	[tilespmem:$0x10080] =	vst v63  }
0x3c: {  	_ = 	snop  }
0x3d: {  	[tilespmem:s13], [sflag:$0x1] =	stream.indirect_vreg.gather [hbm4b:s7+s5], $0x80, v3, vm0, $0xb8;
	[tilespmem:$0x10080] =	vst v63  }
0x3e: {  	_ = 	snop  }
0x3f: {  	[tilespmem:s14], [sflag:$0x1] =	stream.indirect_vreg.gather [hbm4b:s8+s5], $0x80, v3, vm0, $0xb8;
	[tilespmem:$0x10080] =	vst v63  }
0x40: {  	_ = 	snop  }
0x41: {  	[tilespmem:s15], [sflag:$0x1] =	stream.indirect_vreg.gather [hbm4b:s9+s5], $0x80, v3, vm0, $0xb8;
	[tilespmem:$0x10080] =	vst v63  }
0x42: {  	v3 =	vld [tilespmem:s22+$0x20];
	_ =	sdelay $0x4  }
0x43: {  	v62 =	vshll.u32 v3, $0x3  }
0x44: {  	v3 =	vand.u32 $0x7, v3;
	v4 =	vand.u32 $0xFFFFFFC0, v62  }
0x45: {  	v3 =	vor.u32 v3, v4  }
0x46: {  	v4 =	vperm.xlane v3, v0;
	_ =	sdelay $0x1  }
0x47: {  	v4 =	vadd.s32 v1, v4;
	_ =	sdelay $0x4  }
0x48: {  	[tilespmem:s16], [sflag:$0x1] =	stream.indirect_vreg.gather [hbm4b:s1+s5], $0x80, v4, vm0, $0xb8;
	[tilespmem:$0x10080] =	vst v63  }
0x49: {  	v3 =	vperm.xlane v3, v2  }
0x4a: {  	[tilespmem:s17], [sflag:$0x1] =	stream.indirect_vreg.gather [hbm4b:s7+s5], $0x80, v4, vm0, $0xb8;
	[tilespmem:$0x10080] =	vst v63  }
0x4b: {  	v3 =	vadd.s32 v1, v3  }
0x4c: {  	[tilespmem:s18], [sflag:$0x1] =	stream.indirect_vreg.gather [hbm4b:s8+s5], $0x80, v4, vm0, $0xb8;
	[tilespmem:$0x10080] =	vst v63  }
0x4d: {  	_ = 	snop  }
0x4e: {  	[tilespmem:s19], [sflag:$0x1] =	stream.indirect_vreg.gather [hbm4b:s9+s5], $0x80, v4, vm0, $0xb8;
	[tilespmem:$0x10080] =	vst v63  }
0x4f: {  	_ = 	snop  }
0x50: {  	[tilespmem:s20], [sflag:$0x1] =	stream.indirect_vreg.gather [hbm4b:s1+s5], $0x80, v3, vm0, $0xb8;
	[tilespmem:$0x10080] =	vst v63  }
0x51: {  	_ = 	snop  }
0x52: {  	[tilespmem:s24], [sflag:$0x1] =	stream.indirect_vreg.gather [hbm4b:s7+s5], $0x80, v3, vm0, $0xb8;
	[tilespmem:$0x10080] =	vst v63  }
0x53: {  	_ = 	snop  }
0x54: {  	[tilespmem:s25], [sflag:$0x1] =	stream.indirect_vreg.gather [hbm4b:s8+s5], $0x80, v3, vm0, $0xb8;
	[tilespmem:$0x10080] =	vst v63  }
0x55: {  	_ = 	snop  }
0x56: {  	[tilespmem:s26], [sflag:$0x1] =	stream.indirect_vreg.gather [hbm4b:s9+s5], $0x80, v3, vm0, $0xb8;
	[tilespmem:$0x10080] =	vst v63  }
0x57: {  	v3 =	vld [tilespmem:s22+$0x30];
	_ =	sdelay $0x4  }
0x58: {  	v63 =	vshll.u32 v3, $0x3  }
0x59: {  	v3 =	vand.u32 $0x7, v3;
	v4 =	vand.u32 $0xFFFFFFC0, v63  }
0x5a: {  	v3 =	vor.u32 v3, v4  }
0x5b: {  	v4 =	vperm.xlane v3, v0;
	_ =	sdelay $0x1  }
0x5c: {  	v4 =	vadd.s32 v1, v4;
	_ =	sdelay $0x4  }
0x5d: {  	[tilespmem:s23], [sflag:$0x1] =	stream.indirect_vreg.gather [hbm4b:s1+s5], $0x80, v4, vm0, $0xb8;
	[tilespmem:$0x10080] =	vst v63  }
0x5e: {  	v3 =	vperm.xlane v3, v2  }
0x5f: {  	[tilespmem:s28], [sflag:$0x1] =	stream.indirect_vreg.gather [hbm4b:s7+s5], $0x80, v4, vm0, $0xb8;
	[tilespmem:$0x10080] =	vst v63  }
0x60: {  	v3 =	vadd.s32 v1, v3  }
0x61: {  	[tilespmem:s29], [sflag:$0x1] =	stream.indirect_vreg.gather [hbm4b:s8+s5], $0x80, v4, vm0, $0xb8;
	[tilespmem:$0x10080] =	vst v63  }
0x62: {  	_ = 	snop  }
0x63: {  	[tilespmem:s30], [sflag:$0x1] =	stream.indirect_vreg.gather [hbm4b:s9+s5], $0x80, v4, vm0, $0xb8;
	[tilespmem:$0x10080] =	vst v63  }
0x64: {  	_ = 	snop  }
0x65: {  	[tilespmem:s31], [sflag:$0x1] =	stream.indirect_vreg.gather [hbm4b:s1+s5], $0x80, v3, vm0, $0xb8;
	[tilespmem:$0x10080] =	vst v63  }
0x66: {  	_ = 	snop  }
0x67: {  	[tilespmem:s2], [sflag:$0x1] =	stream.indirect_vreg.gather [hbm4b:s7+s5], $0x80, v3, vm0, $0xb8;
	[tilespmem:$0x10080] =	vst v63  }
0x68: {  	_ = 	snop  }
0x69: {  	[tilespmem:s0], [sflag:$0x1] =	stream.indirect_vreg.gather [hbm4b:s8+s5], $0x80, v3, vm0, $0xb8;
	[tilespmem:$0x10080] =	vst v63  }
0x6a: {  	_ = 	snop  }
0x6b: {  	[tilespmem:s6], [sflag:$0x1] =	stream.indirect_vreg.gather [hbm4b:s9+s5], $0x80, v3, vm0, $0xb8;
	[tilespmem:$0x10080] =	vst v63  }
0x6c: {  	_ =	swait.ge [sflag:s21], $0x10000  }
0x6d: {  	[sflag:s21] =	ssyncset.done $0x0  }
0x6e: {  	s10 =	sor.u32 s4, s22;
	[sflag:s21] =	ssyncadd.s32 $0xFFFF0000  }
0x6f: {  	p1 =	por p0, p0;
	s22 =	sshll.u32 s10, $0x7;
	s10 =	rddreg [dreg:$0x2]  }
.Ltmp0:
0x70: {  	s22 =	sadd.s32 s10, s22;
	(pc) =	sbr.rel @p1 .LBB2_2-.Ltmp0, $4  }
0x71: {  	[hbm4b:s22+s5] =	stream.linear.scatter [tilespmem:s12], [sflag:$0x2], $0x10000, $0x38;
	[tilespmem:$0x10080] =	vst v63  }
0x72: {  	_ =	swait.ge [sflag:s11], $0x10000  }
0x73: {  	[sflag:s11] =	ssyncset.done $0x0  }
0x74: {  	p0 =	por $0x0, $0x0;
	s22 =	simm.s32 $0x40;
	[sflag:s11] =	ssyncadd.s32 $0xFFFF0000  }
0x75: {  	s0 =	rddreg [dreg:$0x6]  }
0x76: {  	s22 =	rddreg [dreg:$0x5];
	s0 =	sadd.s32 $0x1, s0  }
0x77: {  	p0 =	sne.s32 s0, s22  }
.Ltmp1:
0x78: {  	_ = 	snop;
	(pc) =	sbr.rel @p0 .LBB2_1-.Ltmp1, $1  }
0x79: {  	_ =	sdelay $0x3  }
0x7a: {  	_ =	sfence.sel $0x180000  }
0x7b: {  	[bflag:$0x0] =	sbarrier.arrive $0xFFFF  }
0x7c: {  	_ =	strace $0x90000047  }
0x7d: {  	s0 =	stileid.u32;
	[bflag:$0x2] =	sbarrier.arrive $0xFFFF  }
0x7e: {  	p0 =	sne.s32 s0, $0x0;
	s0 =	rddreg [dreg:$0x3]  }
0x7f: {  	s0 =	sadd.s32 @!p0 $0x100000, s0  }
0x80: {  	[sflag:s0] =	ssyncadd.tile.s32 @!p0 $0x1;
	_ =	shalt  }
.Lfunc_end2:
_tile_overlayer_lowered:
.L_overlay_start_2:
0x81: {  	(tag) =	ssettag $0x2  }
0x82: {  	s0 =	rddreg [dreg:$0x0];
	s2 =	stileid.u32  }
0x83: {  	s1 =	rddreg [dreg:$0x1];
	p0 =	sne.s32 s2, $0x0  }
0x84: {  	s3 =	rddreg [dreg:$0x2];
	[bflag:$0x3] =	sbarrier.arrive $0xFFFF;
	s2 =	simm.s32 @!p0 $0x1C02  }
0x85: {  	[timem:s3], [sflag:s2] =	dma.local @!p0 [hbm:s0], s1  }
0x86: {  	s0 =	simm.s32 @!p0 $0x2  }
0x87: {  	_ =	swait.ge @!p0 [sflag:s0], s1  }
0x88: {  	s1 =	ssub.s32 @!p0 $0x0, s1;
	[sflag:s0] =	ssyncset.done @!p0 $0x0  }
0x89: {  	[sflag:s0] =	ssyncadd.s32 @!p0 s1  }
0x8a: {  	[bflag:$0x3] =	sbarrier.arrive $0xFFFF  }
0x8b: {  	_ =	shalt  }

</sc_bundles>
